<compile_context>
chip_gen: v7x
topology: tpu7x:2x2x1
jax: 0.10.2.dev20260603
libtpu: 0.0.44.dev20260713+nightly
codegen_flags: <defaults>
</compile_context>

<pallas_src>
import functools

import jax
import jax.numpy as jnp
from jax import lax
from jax.experimental import pallas as pl
from jax.experimental.pallas import tpu as pltpu
from jax.experimental.pallas import tpu_sc as plsc

_N_ATTRS = 115
_N_OBJS = 245
_N_PAIRS = 28175
_N_NODES = _N_ATTRS + _N_OBJS + _N_PAIRS
_SCALE = 50.0

_E = 197585
_E_PAD = 198656
_SCAN = 1552
_PER_TILE = 12416
_N16 = 28544
_RA = 14336
_NDEG = 2 * _RA
_DUMP = 2048

_SC_MESH = plsc.VectorSubcoreMesh(
    core_axis_name="c", subcore_axis_name="s", num_cores=2, num_subcores=16)
_SC_PARAMS = pltpu.CompilerParams(needs_layout_passes=False)


def _iota16():
    return lax.iota(jnp.int32, 16)


def _deg_body(dst_hbm, w_hbm, deg_out, scan_dst, scan_w, cdst, cw,
              vrows, dbuf, obuf, acc):
    c = lax.axis_index("c")
    s = lax.axis_index("s")
    lo = c * _RA
    zeros16 = jnp.zeros((16,), jnp.int32)

    def zv(i, _):
        vrows[i, :] = jnp.zeros((16,), jnp.float32)
        return 0
    lax.fori_loop(0, 128, zv, 0)
    for m in range(7):
        pltpu.sync_copy(vrows, acc.at[pl.ds(s * 896 + m * 128, 128), :])

    def pf(q, _):
        cdst[q >> 3, pl.ds(16 * (q & 7), 16)] = _RA + s * 128 + ((_iota16() + 16 * q) & 127)
        return 0
    lax.fori_loop(0, 97 * 8, pf, 0)

    def scan_chunk(sc, wp):
        base = s * _PER_TILE + sc * _SCAN
        pltpu.sync_copy(dst_hbm.at[pl.ds(base, _SCAN)], scan_dst)
        pltpu.sync_copy(w_hbm.at[pl.ds(base, _SCAN)], scan_w)

        def step(k, wp):
            d16 = scan_dst[pl.ds(16 * k, 16)]
            m = (d16 >= lo) & (d16 < lo + _RA)
            mi = m.astype(jnp.int32)
            pos = jnp.maximum(wp + plsc.cumsum(mi) - 1, 0)
            plsc.store_scatter(cdst, [pos >> 7, pos & 127], d16 - lo, mask=m)
            plsc.store_scatter(cw, [pos], scan_w[pl.ds(16 * k, 16)], mask=m)
            return wp + jnp.sum(mi)
        return lax.fori_loop(0, _SCAN // 16, step, wp)
    count = lax.fori_loop(0, _PER_TILE // _SCAN, scan_chunk, jnp.int32(0))

    plsc.subcore_barrier()

    for seg in range(97):
        @pl.when(seg * 128 < count)
        def _():
            sbase = seg * 128

            def build(j, _):
                w16 = cw[pl.ds(sbase + 16 * j, 16)]
                plsc.store_scatter(vrows, [_iota16() + 16 * j, zeros16], w16)
                return 0
            lax.fori_loop(0, 8, build, 0)
            pltpu.sync_copy(vrows, acc.at[cdst.at[seg]], add=True)

    plsc.subcore_barrier()

    for m in range(7):
        pltpu.sync_copy(acc.at[pl.ds(s * 896 + m * 128, 128), :], dbuf)

        def ext(j, _):
            obuf[pl.ds(16 * j, 16)] = plsc.load_gather(
                dbuf, [_iota16() + 16 * j, zeros16])
            return 0
        lax.fori_loop(0, 8, ext, 0)
        pltpu.sync_copy(obuf, deg_out.at[pl.ds(c * _RA + s * 896 + m * 128, 128)])


def _deg_kernel(dst_pad, w_pad):
    return pl.kernel(
        _deg_body,
        out_type=jax.ShapeDtypeStruct((_NDEG,), jnp.float32),
        mesh=_SC_MESH,
        compiler_params=_SC_PARAMS,
        scratch_types=[
            pltpu.VMEM((_SCAN,), jnp.int32),
            pltpu.VMEM((_SCAN,), jnp.float32),
            pltpu.VMEM((97, 128), jnp.int32),
            pltpu.VMEM((_PER_TILE + 16,), jnp.float32),
            pltpu.VMEM((128, 16), jnp.float32),
            pltpu.VMEM((128, 16), jnp.float32),
            pltpu.VMEM((128,), jnp.float32),
            pltpu.VMEM_SHARED((_RA + _DUMP, 16), jnp.float32),
        ],
    )(dst_pad, w_pad)


def _wnorm_body(deg_hbm, src_hbm, dst_hbm, w_hbm, wn_out,
                degv, dinv, scan_src, scan_dst, scan_w, wout):
    c = lax.axis_index("c")
    s = lax.axis_index("s")
    wid = s * 2 + c

    pltpu.sync_copy(deg_hbm.at[pl.ds(0, _NDEG)], degv)

    half = jnp.full((16,), 0.5, jnp.float32)
    three_half = jnp.full((16,), 1.5, jnp.float32)
    magic = jnp.full((16,), 0x5F3759DF, jnp.int32)

    def newton(i, _):
        x = degv[pl.ds(16 * i, 16)]
        bits = lax.bitcast_convert_type(x, jnp.int32)
        y = lax.bitcast_convert_type(
            magic - lax.shift_right_logical(bits, 1), jnp.float32)
        for _unused in range(3):
            y = y * (three_half - half * x * y * y)
        dinv[pl.ds(16 * i, 16)] = jnp.where(x > 0.0, y, 0.0)
        return 0
    lax.fori_loop(0, _NDEG // 16, newton, 0)

    per_tile = _E_PAD // 32

    def chunk(sc, _):
        base = wid * per_tile + sc * _SCAN
        pltpu.sync_copy(src_hbm.at[pl.ds(base, _SCAN)], scan_src)
        pltpu.sync_copy(dst_hbm.at[pl.ds(base, _SCAN)], scan_dst)
        pltpu.sync_copy(w_hbm.at[pl.ds(base, _SCAN)], scan_w)

        def step(k, _):
            s16 = scan_src[pl.ds(16 * k, 16)]
            d16 = scan_dst[pl.ds(16 * k, 16)]
            a = plsc.load_gather(dinv, [s16])
            b = plsc.load_gather(dinv, [d16])
            wout[pl.ds(16 * k, 16)] = scan_w[pl.ds(16 * k, 16)] * a * b
            return 0
        lax.fori_loop(0, _SCAN // 16, step, 0)
        pltpu.sync_copy(wout, wn_out.at[pl.ds(base, _SCAN)])
        return 0
    lax.fori_loop(0, per_tile // _SCAN, chunk, 0)


def _wnorm_kernel(deg, src_pad, dst_pad, w_pad):
    return pl.kernel(
        _wnorm_body,
        out_type=jax.ShapeDtypeStruct((_E_PAD,), jnp.float32),
        mesh=_SC_MESH,
        compiler_params=_SC_PARAMS,
        scratch_types=[
            pltpu.VMEM((_NDEG,), jnp.float32),
            pltpu.VMEM((_NDEG,), jnp.float32),
            pltpu.VMEM((_SCAN,), jnp.int32),
            pltpu.VMEM((_SCAN,), jnp.int32),
            pltpu.VMEM((_SCAN,), jnp.float32),
            pltpu.VMEM((_SCAN,), jnp.float32),
        ],
    )(deg, src_pad, dst_pad, w_pad)


def _dense_gcn_body(agg_ref, w1_ref, b1_ref, w2_ref, b2_ref, out_ref):
    h = jnp.dot(agg_ref[...], w1_ref[...], preferred_element_type=jnp.float32)
    h = jnp.maximum(h + b1_ref[...], 0.0)
    out_ref[...] = jnp.dot(h, w2_ref[...], preferred_element_type=jnp.float32) + b2_ref[...]


def _dense_gcn(agg, W1, b1, W2, b2):
    n, k = agg.shape
    hid = W1.shape[1]
    emb = W2.shape[1]
    blk = 1024
    return pl.pallas_call(
        _dense_gcn_body,
        grid=(pl.cdiv(n, blk),),
        in_specs=[
            pl.BlockSpec((blk, k), lambda i: (i, 0)),
            pl.BlockSpec((k, hid), lambda i: (0, 0)),
            pl.BlockSpec((1, hid), lambda i: (0, 0)),
            pl.BlockSpec((hid, emb), lambda i: (0, 0)),
            pl.BlockSpec((1, emb), lambda i: (0, 0)),
        ],
        out_specs=pl.BlockSpec((blk, emb), lambda i: (i, 0)),
        out_shape=jax.ShapeDtypeStruct((n, emb), jnp.float32),
    )(agg, W1, b1, W2, b2)


def _img_mlp_body(img_ref, w1_ref, b1_ref, w2_ref, b2_ref, out_ref):
    f = jnp.dot(img_ref[...], w1_ref[...], preferred_element_type=jnp.float32)
    f = jnp.maximum(f + b1_ref[...], 0.0)
    f = jnp.dot(f, w2_ref[...], preferred_element_type=jnp.float32) + b2_ref[...]
    nrm = jnp.sqrt(jnp.sum(f * f, axis=1, keepdims=True))
    out_ref[...] = f / (nrm + 1e-8)


def _img_mlp(img, W1, b1, W2, b2):
    b, feat = img.shape
    hid = W1.shape[1]
    emb = W2.shape[1]
    return pl.pallas_call(
        _img_mlp_body,
        out_shape=jax.ShapeDtypeStruct((b, emb), jnp.float32),
    )(img, W1, b1, W2, b2)


def _scores_body(fhat_ref, p_ref, out_ref):
    p = p_ref[...]
    nrm = jnp.sqrt(jnp.sum(p * p, axis=1, keepdims=True))
    ph = p / (nrm + 1e-8)
    out_ref[...] = _SCALE * jax.lax.dot_general(
        fhat_ref[...], ph, (((1,), (1,)), ((), ())),
        preferred_element_type=jnp.float32)


def _scores(fhat, pairs):
    npair, emb = pairs.shape
    b = fhat.shape[0]
    blk = 2048
    return pl.pallas_call(
        _scores_body,
        grid=(pl.cdiv(npair, blk),),
        in_specs=[
            pl.BlockSpec((b, emb), lambda i: (0, 0)),
            pl.BlockSpec((blk, emb), lambda i: (i, 0)),
        ],
        out_specs=pl.BlockSpec((b, blk), lambda i: (0, i)),
        out_shape=jax.ShapeDtypeStruct((b, npair), jnp.float32),
    )(fhat, pairs)


def kernel(img, node_embeddings, edge_index, edge_weight,
           W_g1, b_g1, W_g2, b_g2, W_m1, b_m1, W_m2, b_m2):
    src = edge_index[0]
    dst = edge_index[1]
    pad_e = _E_PAD - _E
    src_pad = jnp.pad(src, (0, pad_e))
    dst_pad = jnp.pad(dst, (0, pad_e))
    w_pad = jnp.pad(edge_weight, (0, pad_e))
    deg = jax.ops.segment_sum(edge_weight, dst, num_segments=_N_NODES)
    deg_w = jnp.pad(deg, (0, _NDEG - _N_NODES))
    w_norm = _wnorm_kernel(deg_w, src_pad, dst_pad, w_pad)[:_E]

    embp = jnp.pad(node_embeddings, ((0, 0), (0, 20)))
    agg = jax.ops.segment_sum(embp[src] * w_norm[:, None], dst,
                              num_segments=_N_NODES)
    W1p = jnp.pad(W_g1, ((0, 20), (0, 0)))
    hW = _dense_gcn(agg, W1p, b_g1.reshape(1, -1), W_g2, b_g2.reshape(1, -1))

    h2 = jax.ops.segment_sum(hW[src] * w_norm[:, None], dst,
                             num_segments=_N_NODES)
    pair_embeds = h2[_N_ATTRS + _N_OBJS:]

    fhat = _img_mlp(img, W_m1, b_m1.reshape(1, -1), W_m2, b_m2.reshape(1, -1))
    return _scores(fhat, pair_embeds)

# --- scband reference (transcript-rebuilt; emitter-appended) ---
"""Pipeline reference for scband-graph-full-85822036508711 (READ-ONLY COPY).

The authoritative reference and input builder live on the scoring server;
editing this copy changes nothing except your own understanding.
"""

import jax, jax.numpy as jnp
import numpy as np

N_ATTRS = 115
N_OBJS = 245
N_PAIRS = 28175
N_NODES = N_ATTRS + N_OBJS + N_PAIRS
N_EDGES = 197585
WORD_DIM = 300
HID = 2048
EMB = 512
FEAT = 512
BATCH = 128
MLP_HID = 1024
SCALE = 50.0


def setup_inputs(seed: int = 0) -> dict:
    key = jax.random.key(seed)
    ks = jax.random.split(key, 12)
    img = jax.random.normal(ks[0], (BATCH, FEAT), dtype=jnp.float32)
    node_embeddings = jax.random.normal(ks[1], (N_NODES, WORD_DIM), dtype=jnp.float32) * 0.1
    edge_index = jax.random.randint(ks[2], (2, N_EDGES), 0, N_NODES, dtype=jnp.int32)
    edge_weight = jax.random.uniform(ks[3], (N_EDGES,), dtype=jnp.float32)
    W_g1 = jax.random.normal(ks[4], (WORD_DIM, HID), dtype=jnp.float32) / np.sqrt(WORD_DIM)
    b_g1 = jnp.zeros((HID,), jnp.float32)
    W_g2 = jax.random.normal(ks[5], (HID, EMB), dtype=jnp.float32) / np.sqrt(HID)
    b_g2 = jnp.zeros((EMB,), jnp.float32)
    W_m1 = jax.random.normal(ks[6], (FEAT, MLP_HID), dtype=jnp.float32) / np.sqrt(FEAT)
    b_m1 = jnp.zeros((MLP_HID,), jnp.float32)
    W_m2 = jax.random.normal(ks[7], (MLP_HID, EMB), dtype=jnp.float32) / np.sqrt(MLP_HID)
    b_m2 = jnp.zeros((EMB,), jnp.float32)
    return {'img': img, 'node_embeddings': node_embeddings, 'edge_index': edge_index,
            'edge_weight': edge_weight, 'W_g1': W_g1, 'b_g1': b_g1, 'W_g2': W_g2, 'b_g2': b_g2,
            'W_m1': W_m1, 'b_m1': b_m1, 'W_m2': W_m2, 'b_m2': b_m2}


def reference(img, node_embeddings, edge_index, edge_weight,
              W_g1, b_g1, W_g2, b_g2, W_m1, b_m1, W_m2, b_m2):
    src = edge_index[0]
    dst = edge_index[1]
    # symmetric degree normalization of the weighted adjacency (GCN)
    deg = jax.ops.segment_sum(edge_weight, dst, num_segments=N_NODES)
    d_inv = jnp.where(deg > 0, 1.0 / jnp.sqrt(deg), 0.0)
    w_norm = edge_weight * d_inv[src] * d_inv[dst]
    # GCN layer 1: aggregate (sparse scatter-add over edges), then dense transform + relu
    agg = jax.ops.segment_sum(node_embeddings[src] * w_norm[:, None], dst, num_segments=N_NODES)
    h = jax.nn.relu(agg @ W_g1 + b_g1)
    # GCN layer 2: dense transform, then aggregate
    hW = h @ W_g2 + b_g2
    h2 = jax.ops.segment_sum(hW[src] * w_norm[:, None], dst, num_segments=N_NODES)
    # pair node embeddings (composition nodes after attr+obj nodes)
    pair_embeds = h2[N_ATTRS + N_OBJS:]
    # image embedder MLP
    f = jax.nn.relu(img @ W_m1 + b_m1)
    f = f @ W_m2 + b_m2
    # cosine classifier with scale (val_forward_dotpr with cosine_classifier)
    f = f / (jnp.linalg.norm(f, axis=1, keepdims=True) + 1e-8)
    p = pair_embeds / (jnp.linalg.norm(pair_embeds, axis=1, keepdims=True) + 1e-8)
    score = SCALE * (f @ p.T)
    return score

if __name__ == "__main__":
    import jax
    _d = setup_inputs()
    print(jax.jit(kernel)(*tuple(_d.values())))

</pallas_src>

<mosaic_0001>
#map = affine_map<(d0, d1) -> (0)>
module attributes {stable_mosaic.version = 14 : i64} {
  func.func @_wnorm_body(%arg0: i32, %arg1: i32, %arg2: memref<28672xf32, #tpu.memory_space<hbm>>, %arg3: memref<198656xi32, #tpu.memory_space<hbm>>, %arg4: memref<198656xi32, #tpu.memory_space<hbm>>, %arg5: memref<198656xf32, #tpu.memory_space<hbm>>, %arg6: memref<198656xf32, #tpu.memory_space<hbm>>, %arg7: memref<28672xf32, #tpu.memory_space<vmem>>, %arg8: memref<28672xf32, #tpu.memory_space<vmem>>, %arg9: memref<1552xi32, #tpu.memory_space<vmem>>, %arg10: memref<1552xi32, #tpu.memory_space<vmem>>, %arg11: memref<1552xf32, #tpu.memory_space<vmem>>, %arg12: memref<1552xf32, #tpu.memory_space<vmem>>) attributes {dimension_semantics = [#tpu.dimension_semantics<core_parallel>, #tpu.dimension_semantics<subcore_parallel>], iteration_bounds = array<i64: 2, 16>, scalar_prefetch = 0 : i64, scratch_operands = 6 : i64, tpu.core_type = #tpu.core_type<sc_vector_subcore>, window_params = [{transform_indices = #map}, {transform_indices = #map}, {transform_indices = #map}, {transform_indices = #map}, {transform_indices = #map}]} {
    %mul3A = arith.constant 2 : i32
    %mul3A_0 = arith.muli %arg1, %mul3A : i32
    %add3A = arith.addi %mul3A_0, %arg0 : i32
    "tpu.region"() ({
      %run_scoped3A = tpu.sem_alloc : memref<!tpu.dma_semaphore, #tpu.memory_space<semaphore_mem>>
      %dma_start3A = arith.constant 0 : i32
      %dma_start3A_19 = tpu.memref_slice %arg2[%dma_start3A] : memref<28672xf32, #tpu.memory_space<hbm>> -> memref<28672xf32, #tpu.memory_space<hbm>>
      %dma_start3A_20 = arith.constant 0 : i32
      %dma_start3A_21 = tpu.memref_slice %arg2[%dma_start3A_20] : memref<28672xf32, #tpu.memory_space<hbm>> -> memref<28672xf32, #tpu.memory_space<hbm>>
      tpu.enqueue_dma source(%dma_start3A_21 : memref<28672xf32, #tpu.memory_space<hbm>>) target(%arg7 : memref<28672xf32, #tpu.memory_space<vmem>>) target_semaphore(%run_scoped3A : memref<!tpu.dma_semaphore, #tpu.memory_space<semaphore_mem>>)
      %dma_wait3A = arith.constant 0 : i32
      %dma_wait3A_22 = tpu.memref_slice %arg2[%dma_wait3A] : memref<28672xf32, #tpu.memory_space<hbm>> -> memref<28672xf32, #tpu.memory_space<hbm>>
      %dma_wait3A_23 = arith.constant 0 : i32
      %dma_wait3A_24 = tpu.memref_slice %arg2[%dma_wait3A_23] : memref<28672xf32, #tpu.memory_space<hbm>> -> memref<28672xf32, #tpu.memory_space<hbm>>
      tpu.wait_dma2 semaphore(%run_scoped3A : memref<!tpu.dma_semaphore, #tpu.memory_space<semaphore_mem>>) src(%dma_wait3A_24 : memref<28672xf32, #tpu.memory_space<hbm>>) dst(%arg7 : memref<28672xf32, #tpu.memory_space<vmem>>)
      tpu.yield
    }) : () -> ()
    %broadcast_in_dim3A = arith.constant 5.000000e-01 : f32
    %broadcast_in_dim3A_1 = vector.broadcast %broadcast_in_dim3A : f32 to vector<16xf32>
    %broadcast_in_dim3A_2 = arith.constant 1.500000e+00 : f32
    %broadcast_in_dim3A_3 = vector.broadcast %broadcast_in_dim3A_2 : f32 to vector<16xf32>
    %broadcast_in_dim3A_4 = arith.constant 1597463007 : i32
    %broadcast_in_dim3A_5 = vector.broadcast %broadcast_in_dim3A_4 : i32 to vector<16xi32>
    %scan3A = arith.constant 0 : i32
    %scan3A_6 = arith.constant 0 : i32
    %scan3A_7 = arith.constant 1792 : i32
    %scan3A_8 = arith.addi %scan3A_6, %scan3A_7 : i32
    %scan3A_9 = arith.constant 1 : i32
    %scan3A_10 = scf.for %scan3A_19 = %scan3A_6 to %scan3A_8 step %scan3A_9 iter_args(%scan3A_20 = %scan3A) -> (i32)  : i32 {
      %mul3A_21 = arith.constant 16 : i32
      %mul3A_22 = arith.muli %mul3A_21, %scan3A_19 : i32
      %get3A = arith.index_cast %mul3A_22 : i32 to index
      %get3A_23 = tpu.vector_load %arg7[%get3A] {strides = array<i32>} : memref<28672xf32, #tpu.memory_space<vmem>>, vector<16xf32>,
      %bitcast_convert_type3A = tpu.bitcast %get3A_23 : vector<16xf32> -> vector<16xi32>
      %shift_right_logical3A = arith.constant 1 : i32
      %shift_right_logical3A_24 = vector.broadcast %shift_right_logical3A : i32 to vector<16xi32>
      %shift_right_logical3A_25 = arith.shrui %bitcast_convert_type3A, %shift_right_logical3A_24 : vector<16xi32>
      %sub3A = arith.subi %broadcast_in_dim3A_5, %shift_right_logical3A_25 : vector<16xi32>
      %bitcast_convert_type3A_26 = tpu.bitcast %sub3A : vector<16xi32> -> vector<16xf32>
      %mul3A_27 = arith.mulf %broadcast_in_dim3A_1, %get3A_23 : vector<16xf32>
      %mul3A_28 = arith.mulf %mul3A_27, %bitcast_convert_type3A_26 : vector<16xf32>
      %mul3A_29 = arith.mulf %mul3A_28, %bitcast_convert_type3A_26 : vector<16xf32>
      %sub3A_30 = arith.subf %broadcast_in_dim3A_3, %mul3A_29 : vector<16xf32>
      %mul3A_31 = arith.mulf %bitcast_convert_type3A_26, %sub3A_30 : vector<16xf32>
      %mul3A_32 = arith.mulf %broadcast_in_dim3A_1, %get3A_23 : vector<16xf32>
      %mul3A_33 = arith.mulf %mul3A_32, %mul3A_31 : vector<16xf32>
      %mul3A_34 = arith.mulf %mul3A_33, %mul3A_31 : vector<16xf32>
      %sub3A_35 = arith.subf %broadcast_in_dim3A_3, %mul3A_34 : vector<16xf32>
      %mul3A_36 = arith.mulf %mul3A_31, %sub3A_35 : vector<16xf32>
      %mul3A_37 = arith.mulf %broadcast_in_dim3A_1, %get3A_23 : vector<16xf32>
      %mul3A_38 = arith.mulf %mul3A_37, %mul3A_36 : vector<16xf32>
      %mul3A_39 = arith.mulf %mul3A_38, %mul3A_36 : vector<16xf32>
      %sub3A_40 = arith.subf %broadcast_in_dim3A_3, %mul3A_39 : vector<16xf32>
      %mul3A_41 = arith.mulf %mul3A_36, %sub3A_40 : vector<16xf32>
      %gt3A = arith.constant 0.000000e+00 : f32
      %gt3A_42 = vector.broadcast %gt3A : f32 to vector<16xf32>
      %gt3A_43 = arith.cmpf ogt, %get3A_23, %gt3A_42 : vector<16xf32>
      %jit3A = arith.constant 0.000000e+00 : f32
      %broadcast_in_dim3A_44 = vector.broadcast %jit3A : f32 to vector<16xf32>
      %select_n3A = arith.select %gt3A_43, %mul3A_41, %broadcast_in_dim3A_44 : vector<16xi1>, vector<16xf32>
      %mul3A_45 = arith.constant 16 : i32
      %mul3A_46 = arith.muli %mul3A_45, %scan3A_19 : i32
      %swap3A = arith.index_cast %mul3A_46 : i32 to index
      %swap3A_47 = tpu.vector_load %arg8[%swap3A] {strides = array<i32>} : memref<28672xf32, #tpu.memory_space<vmem>>, vector<16xf32>,
      tpu.vector_store %arg8[%swap3A], %select_n3A {strides = array<i32>} : memref<28672xf32, #tpu.memory_space<vmem>>, vector<16xf32>,
      %scan3A_48 = arith.constant 0 : i32
      scf.yield %scan3A_48 : i32
    }
    %scan3A_11 = arith.constant 1792 : i32
    %scan3A_12 = arith.constant 0 : i32
    %scan3A_13 = arith.constant 0 : i32
    %scan3A_14 = arith.constant 4 : i32
    %scan3A_15 = arith.addi %scan3A_13, %scan3A_14 : i32
    %scan3A_16 = arith.constant 1 : i32
    %scan3A_17 = scf.for %scan3A_19 = %scan3A_13 to %scan3A_15 step %scan3A_16 iter_args(%scan3A_20 = %scan3A_12) -> (i32)  : i32 {
      %mul3A_21 = arith.constant 6208 : i32
      %mul3A_22 = arith.muli %add3A, %mul3A_21 : i32
      %mul3A_23 = arith.constant 1552 : i32
      %mul3A_24 = arith.muli %scan3A_19, %mul3A_23 : i32
      %add3A_25 = arith.addi %mul3A_22, %mul3A_24 : i32
      "tpu.region"() ({
        %run_scoped3A = tpu.sem_alloc : memref<!tpu.dma_semaphore, #tpu.memory_space<semaphore_mem>>
        %dma_start3A = tpu.memref_slice %arg3[%add3A_25] : memref<198656xi32, #tpu.memory_space<hbm>> -> memref<1552xi32, #tpu.memory_space<hbm>>
        %dma_start3A_34 = tpu.memref_slice %arg3[%add3A_25] : memref<198656xi32, #tpu.memory_space<hbm>> -> memref<1552xi32, #tpu.memory_space<hbm>>
        tpu.enqueue_dma source(%dma_start3A_34 : memref<1552xi32, #tpu.memory_space<hbm>>) target(%arg9 : memref<1552xi32, #tpu.memory_space<vmem>>) target_semaphore(%run_scoped3A : memref<!tpu.dma_semaphore, #tpu.memory_space<semaphore_mem>>)
        %dma_wait3A = tpu.memref_slice %arg3[%add3A_25] : memref<198656xi32, #tpu.memory_space<hbm>> -> memref<1552xi32, #tpu.memory_space<hbm>>
        %dma_wait3A_35 = tpu.memref_slice %arg3[%add3A_25] : memref<198656xi32, #tpu.memory_space<hbm>> -> memref<1552xi32, #tpu.memory_space<hbm>>
        tpu.wait_dma2 semaphore(%run_scoped3A : memref<!tpu.dma_semaphore, #tpu.memory_space<semaphore_mem>>) src(%dma_wait3A_35 : memref<1552xi32, #tpu.memory_space<hbm>>) dst(%arg9 : memref<1552xi32, #tpu.memory_space<vmem>>)
        tpu.yield
      }) : () -> ()
      "tpu.region"() ({
        %run_scoped3A = tpu.sem_alloc : memref<!tpu.dma_semaphore, #tpu.memory_space<semaphore_mem>>
        %dma_start3A = tpu.memref_slice %arg4[%add3A_25] : memref<198656xi32, #tpu.memory_space<hbm>> -> memref<1552xi32, #tpu.memory_space<hbm>>
        %dma_start3A_34 = tpu.memref_slice %arg4[%add3A_25] : memref<198656xi32, #tpu.memory_space<hbm>> -> memref<1552xi32, #tpu.memory_space<hbm>>
        tpu.enqueue_dma source(%dma_start3A_34 : memref<1552xi32, #tpu.memory_space<hbm>>) target(%arg10 : memref<1552xi32, #tpu.memory_space<vmem>>) target_semaphore(%run_scoped3A : memref<!tpu.dma_semaphore, #tpu.memory_space<semaphore_mem>>)
        %dma_wait3A = tpu.memref_slice %arg4[%add3A_25] : memref<198656xi32, #tpu.memory_space<hbm>> -> memref<1552xi32, #tpu.memory_space<hbm>>
        %dma_wait3A_35 = tpu.memref_slice %arg4[%add3A_25] : memref<198656xi32, #tpu.memory_space<hbm>> -> memref<1552xi32, #tpu.memory_space<hbm>>
        tpu.wait_dma2 semaphore(%run_scoped3A : memref<!tpu.dma_semaphore, #tpu.memory_space<semaphore_mem>>) src(%dma_wait3A_35 : memref<1552xi32, #tpu.memory_space<hbm>>) dst(%arg10 : memref<1552xi32, #tpu.memory_space<vmem>>)
        tpu.yield
      }) : () -> ()
      "tpu.region"() ({
        %run_scoped3A = tpu.sem_alloc : memref<!tpu.dma_semaphore, #tpu.memory_space<semaphore_mem>>
        %dma_start3A = tpu.memref_slice %arg5[%add3A_25] : memref<198656xf32, #tpu.memory_space<hbm>> -> memref<1552xf32, #tpu.memory_space<hbm>>
        %dma_start3A_34 = tpu.memref_slice %arg5[%add3A_25] : memref<198656xf32, #tpu.memory_space<hbm>> -> memref<1552xf32, #tpu.memory_space<hbm>>
        tpu.enqueue_dma source(%dma_start3A_34 : memref<1552xf32, #tpu.memory_space<hbm>>) target(%arg11 : memref<1552xf32, #tpu.memory_space<vmem>>) target_semaphore(%run_scoped3A : memref<!tpu.dma_semaphore, #tpu.memory_space<semaphore_mem>>)
        %dma_wait3A = tpu.memref_slice %arg5[%add3A_25] : memref<198656xf32, #tpu.memory_space<hbm>> -> memref<1552xf32, #tpu.memory_space<hbm>>
        %dma_wait3A_35 = tpu.memref_slice %arg5[%add3A_25] : memref<198656xf32, #tpu.memory_space<hbm>> -> memref<1552xf32, #tpu.memory_space<hbm>>
        tpu.wait_dma2 semaphore(%run_scoped3A : memref<!tpu.dma_semaphore, #tpu.memory_space<semaphore_mem>>) src(%dma_wait3A_35 : memref<1552xf32, #tpu.memory_space<hbm>>) dst(%arg11 : memref<1552xf32, #tpu.memory_space<vmem>>)
        tpu.yield
      }) : () -> ()
      %scan3A_26 = arith.constant 0 : i32
      %scan3A_27 = arith.constant 0 : i32
      %scan3A_28 = arith.constant 97 : i32
      %scan3A_29 = arith.addi %scan3A_27, %scan3A_28 : i32
      %scan3A_30 = arith.constant 1 : i32
      %scan3A_31 = scf.for %scan3A_34 = %scan3A_27 to %scan3A_29 step %scan3A_30 iter_args(%scan3A_35 = %scan3A_26) -> (i32)  : i32 {
        %mul3A_36 = arith.constant 16 : i32
        %mul3A_37 = arith.muli %mul3A_36, %scan3A_34 : i32
        %get3A = arith.index_cast %mul3A_37 : i32 to index
        %get3A_38 = tpu.vector_load %arg9[%get3A] {strides = array<i32>} : memref<1552xi32, #tpu.memory_space<vmem>>, vector<16xi32>,
        %mul3A_39 = arith.constant 16 : i32
        %mul3A_40 = arith.muli %mul3A_39, %scan3A_34 : i32
        %get3A_41 = arith.index_cast %mul3A_40 : i32 to index
        %get3A_42 = tpu.vector_load %arg10[%get3A_41] {strides = array<i32>} : memref<1552xi32, #tpu.memory_space<vmem>>, vector<16xi32>,
        %gather3A = tpu.vector_load_idx %arg8[%get3A_38] : memref<28672xf32, #tpu.memory_space<vmem>>[vector<16xi32>], vector<16xf32>,
        %gather3A_43 = tpu.vector_load_idx %arg8[%get3A_42] : memref<28672xf32, #tpu.memory_space<vmem>>[vector<16xi32>], vector<16xf32>,
        %mul3A_44 = arith.constant 16 : i32
        %mul3A_45 = arith.muli %mul3A_44, %scan3A_34 : i32
        %get3A_46 = arith.index_cast %mul3A_45 : i32 to index
        %get3A_47 = tpu.vector_load %arg11[%get3A_46] {strides = array<i32>} : memref<1552xf32, #tpu.memory_space<vmem>>, vector<16xf32>,
        %mul3A_48 = arith.mulf %get3A_47, %gather3A : vector<16xf32>
        %mul3A_49 = arith.mulf %mul3A_48, %gather3A_43 : vector<16xf32>
        %mul3A_50 = arith.constant 16 : i32
        %mul3A_51 = arith.muli %mul3A_50, %scan3A_34 : i32
        %swap3A = arith.index_cast %mul3A_51 : i32 to index
        %swap3A_52 = tpu.vector_load %arg12[%swap3A] {strides = array<i32>} : memref<1552xf32, #tpu.memory_space<vmem>>, vector<16xf32>,
        tpu.vector_store %arg12[%swap3A], %mul3A_49 {strides = array<i32>} : memref<1552xf32, #tpu.memory_space<vmem>>, vector<16xf32>,
        %scan3A_53 = arith.constant 0 : i32
        scf.yield %scan3A_53 : i32
      }
      %scan3A_32 = arith.constant 97 : i32
      "tpu.region"() ({
        %run_scoped3A = tpu.sem_alloc : memref<!tpu.dma_semaphore, #tpu.memory_space<semaphore_mem>>
        %dma_start3A = tpu.memref_slice %arg6[%add3A_25] : memref<198656xf32, #tpu.memory_space<hbm>> -> memref<1552xf32, #tpu.memory_space<hbm>>
        %dma_start3A_34 = tpu.memref_slice %arg6[%add3A_25] : memref<198656xf32, #tpu.memory_space<hbm>> -> memref<1552xf32, #tpu.memory_space<hbm>>
        tpu.enqueue_dma source(%arg12 : memref<1552xf32, #tpu.memory_space<vmem>>) target(%dma_start3A_34 : memref<1552xf32, #tpu.memory_space<hbm>>) target_semaphore(%run_scoped3A : memref<!tpu.dma_semaphore, #tpu.memory_space<semaphore_mem>>)
        %dma_wait3A = tpu.memref_slice %arg6[%add3A_25] : memref<198656xf32, #tpu.memory_space<hbm>> -> memref<1552xf32, #tpu.memory_space<hbm>>
        %dma_wait3A_35 = tpu.memref_slice %arg6[%add3A_25] : memref<198656xf32, #tpu.memory_space<hbm>> -> memref<1552xf32, #tpu.memory_space<hbm>>
        tpu.wait_dma2 semaphore(%run_scoped3A : memref<!tpu.dma_semaphore, #tpu.memory_space<semaphore_mem>>) src(%arg12 : memref<1552xf32, #tpu.memory_space<vmem>>) dst(%dma_wait3A_35 : memref<1552xf32, #tpu.memory_space<hbm>>)
        tpu.yield
      }) : () -> ()
      %scan3A_33 = arith.constant 0 : i32
      scf.yield %scan3A_33 : i32
    }
    %scan3A_18 = arith.constant 4 : i32
    return
  }
}

module attributes {stable_mosaic.version = 14 : i64} {
  func.func @_dense_gcn_body(%arg0: i32, %arg1: memref<1024x320xf32, #tpu.memory_space<vmem>>, %arg2: memref<320x2048xf32, #tpu.memory_space<vmem>>, %arg3: memref<1x2048xf32, #tpu.memory_space<vmem>>, %arg4: memref<2048x512xf32, #tpu.memory_space<vmem>>, %arg5: memref<1x512xf32, #tpu.memory_space<vmem>>, %arg6: memref<1024x512xf32, #tpu.memory_space<vmem>>) attributes {dimension_semantics = [#tpu.dimension_semantics<arbitrary>], iteration_bounds = array<i64: 28>, scalar_prefetch = 0 : i64, scratch_operands = 0 : i64, tpu.core_type = #tpu.core_type<tc>, window_params = [{transform_indices = @transform_0, window_bounds = array<i64: 1024, 320>}, {pipeline_mode = #tpu.pipeline_mode<synchronous>, transform_indices = @transform_1, window_bounds = array<i64: 320, 2048>}, {pipeline_mode = #tpu.pipeline_mode<synchronous>, transform_indices = @transform_2, window_bounds = array<i64: 1, 2048>}, {pipeline_mode = #tpu.pipeline_mode<synchronous>, transform_indices = @transform_3, window_bounds = array<i64: 2048, 512>}, {pipeline_mode = #tpu.pipeline_mode<synchronous>, transform_indices = @transform_4, window_bounds = array<i64: 1, 512>}, {transform_indices = @transform_5, window_bounds = array<i64: 1024, 512>}]} {
    %get3A = arith.constant 0 : index
    %get3A_0 = arith.constant 0 : index
    %get3A_1 = vector.load %arg1[%get3A, %get3A_0] : memref<1024x320xf32, #tpu.memory_space<vmem>>, vector<1024x320xf32>
    %get3A_2 = arith.constant 0 : index
    %get3A_3 = arith.constant 0 : index
    %get3A_4 = vector.load %arg2[%get3A_2, %get3A_3] : memref<320x2048xf32, #tpu.memory_space<vmem>>, vector<320x2048xf32>
    %dot_general3A = arith.constant dense<0.000000e+00> : vector<1024x2048xf32>
    %dot_general3A_5 = tpu.matmul %get3A_1, %get3A_4, %dot_general3A {dimension_numbers = #tpu.dot_dimension_numbers<[1], [0], [0], [1], [0, 0, 1, 1], [], []>, transpose_lhs_hint = false} : vector<1024x320xf32>, vector<320x2048xf32>, vector<1024x2048xf32> -> vector<1024x2048xf32>
    %get3A_6 = arith.constant 0 : index
    %get3A_7 = arith.constant 0 : index
    %get3A_8 = vector.load %arg3[%get3A_6, %get3A_7] : memref<1x2048xf32, #tpu.memory_space<vmem>>, vector<1x2048xf32>
    %add3A = vector.broadcast %get3A_8 : vector<1x2048xf32> to vector<1024x2048xf32>
    %add3A_9 = arith.addf %dot_general3A_5, %add3A : vector<1024x2048xf32>
    %max3A = arith.constant 0.000000e+00 : f32
    %max3A_10 = vector.broadcast %max3A : f32 to vector<1024x2048xf32>
    %max3A_11 = arith.maximumf %add3A_9, %max3A_10 : vector<1024x2048xf32>
    %get3A_12 = arith.constant 0 : index
    %get3A_13 = arith.constant 0 : index
    %get3A_14 = vector.load %arg4[%get3A_12, %get3A_13] : memref<2048x512xf32, #tpu.memory_space<vmem>>, vector<2048x512xf32>
    %dot_general3A_15 = arith.constant dense<0.000000e+00> : vector<1024x512xf32>
    %dot_general3A_16 = tpu.matmul %max3A_11, %get3A_14, %dot_general3A_15 {dimension_numbers = #tpu.dot_dimension_numbers<[1], [0], [0], [1], [0, 0, 1, 1], [], []>, transpose_lhs_hint = false} : vector<1024x2048xf32>, vector<2048x512xf32>, vector<1024x512xf32> -> vector<1024x512xf32>
    %get3A_17 = arith.constant 0 : index
    %get3A_18 = arith.constant 0 : index
    %get3A_19 = vector.load %arg5[%get3A_17, %get3A_18] : memref<1x512xf32, #tpu.memory_space<vmem>>, vector<1x512xf32>
    %add3A_20 = vector.broadcast %get3A_19 : vector<1x512xf32> to vector<1024x512xf32>
    %add3A_21 = arith.addf %dot_general3A_16, %add3A_20 : vector<1024x512xf32>
    %swap3A = arith.constant 0 : index
    %swap3A_22 = arith.constant 0 : index
    %swap3A_23 = vector.load %arg6[%swap3A, %swap3A_22] : memref<1024x512xf32, #tpu.memory_space<vmem>>, vector<1024x512xf32>
    tpu.vector_store %arg6[%swap3A, %swap3A_22], %add3A_21 {strides = array<i32>} : memref<1024x512xf32, #tpu.memory_space<vmem>>, vector<1024x512xf32>,
    return
  }
  func.func @transform_0(%arg0: i32) -> (i32, i32) {
    %c0_i32 = arith.constant 0 : i32
    %c0_i32_0 = arith.constant 0 : i32
    return %arg0, %c0_i32 : i32, i32
  }
  func.func @transform_1(%arg0: i32) -> (i32, i32) {
    %c0_i32 = arith.constant 0 : i32
    %c0_i32_0 = arith.constant 0 : i32
    %c0_i32_1 = arith.constant 0 : i32
    return %c0_i32, %c0_i32_0 : i32, i32
  }
  func.func @transform_2(%arg0: i32) -> (i32, i32) {
    %c0_i32 = arith.constant 0 : i32
    %c0_i32_0 = arith.constant 0 : i32
    %c0_i32_1 = arith.constant 0 : i32
    return %c0_i32, %c0_i32_0 : i32, i32
  }
  func.func @transform_3(%arg0: i32) -> (i32, i32) {
    %c0_i32 = arith.constant 0 : i32
    %c0_i32_0 = arith.constant 0 : i32
    %c0_i32_1 = arith.constant 0 : i32
    return %c0_i32, %c0_i32_0 : i32, i32
  }
  func.func @transform_4(%arg0: i32) -> (i32, i32) {
    %c0_i32 = arith.constant 0 : i32
    %c0_i32_0 = arith.constant 0 : i32
    %c0_i32_1 = arith.constant 0 : i32
    return %c0_i32, %c0_i32_0 : i32, i32
  }
  func.func @transform_5(%arg0: i32) -> (i32, i32) {
    %c0_i32 = arith.constant 0 : i32
    %c0_i32_0 = arith.constant 0 : i32
    return %arg0, %c0_i32 : i32, i32
  }
}

module attributes {stable_mosaic.version = 14 : i64} {
  func.func @_img_mlp_body(%arg0: memref<128x512xf32, #tpu.memory_space<vmem>>, %arg1: memref<512x1024xf32, #tpu.memory_space<vmem>>, %arg2: memref<1x1024xf32, #tpu.memory_space<vmem>>, %arg3: memref<1024x512xf32, #tpu.memory_space<vmem>>, %arg4: memref<1x512xf32, #tpu.memory_space<vmem>>, %arg5: memref<128x512xf32, #tpu.memory_space<vmem>>) attributes {dimension_semantics = [], scalar_prefetch = 0 : i64, scratch_operands = 0 : i64, tpu.core_type = #tpu.core_type<tc>} {
    %get3A = arith.constant 0 : index
    %get3A_0 = arith.constant 0 : index
    %get3A_1 = vector.load %arg0[%get3A, %get3A_0] : memref<128x512xf32, #tpu.memory_space<vmem>>, vector<128x512xf32>
    %get3A_2 = arith.constant 0 : index
    %get3A_3 = arith.constant 0 : index
    %get3A_4 = vector.load %arg1[%get3A_2, %get3A_3] : memref<512x1024xf32, #tpu.memory_space<vmem>>, vector<512x1024xf32>
    %dot_general3A = arith.constant dense<0.000000e+00> : vector<128x1024xf32>
    %dot_general3A_5 = tpu.matmul %get3A_1, %get3A_4, %dot_general3A {dimension_numbers = #tpu.dot_dimension_numbers<[1], [0], [0], [1], [0, 0, 1, 1], [], []>, transpose_lhs_hint = false} : vector<128x512xf32>, vector<512x1024xf32>, vector<128x1024xf32> -> vector<128x1024xf32>
    %get3A_6 = arith.constant 0 : index
    %get3A_7 = arith.constant 0 : index
    %get3A_8 = vector.load %arg2[%get3A_6, %get3A_7] : memref<1x1024xf32, #tpu.memory_space<vmem>>, vector<1x1024xf32>
    %add3A = vector.broadcast %get3A_8 : vector<1x1024xf32> to vector<128x1024xf32>
    %add3A_9 = arith.addf %dot_general3A_5, %add3A : vector<128x1024xf32>
    %max3A = arith.constant 0.000000e+00 : f32
    %max3A_10 = vector.broadcast %max3A : f32 to vector<128x1024xf32>
    %max3A_11 = arith.maximumf %add3A_9, %max3A_10 : vector<128x1024xf32>
    %get3A_12 = arith.constant 0 : index
    %get3A_13 = arith.constant 0 : index
    %get3A_14 = vector.load %arg3[%get3A_12, %get3A_13] : memref<1024x512xf32, #tpu.memory_space<vmem>>, vector<1024x512xf32>
    %dot_general3A_15 = arith.constant dense<0.000000e+00> : vector<128x512xf32>
    %dot_general3A_16 = tpu.matmul %max3A_11, %get3A_14, %dot_general3A_15 {dimension_numbers = #tpu.dot_dimension_numbers<[1], [0], [0], [1], [0, 0, 1, 1], [], []>, transpose_lhs_hint = false} : vector<128x1024xf32>, vector<1024x512xf32>, vector<128x512xf32> -> vector<128x512xf32>
    %get3A_17 = arith.constant 0 : index
    %get3A_18 = arith.constant 0 : index
    %get3A_19 = vector.load %arg4[%get3A_17, %get3A_18] : memref<1x512xf32, #tpu.memory_space<vmem>>, vector<1x512xf32>
    %add3A_20 = vector.broadcast %get3A_19 : vector<1x512xf32> to vector<128x512xf32>
    %add3A_21 = arith.addf %dot_general3A_16, %add3A_20 : vector<128x512xf32>
    %mul3A = arith.mulf %add3A_21, %add3A_21 : vector<128x512xf32>
    %reduce_sum3A = arith.constant dense<0.000000e+00> : vector<128xf32>
    %reduce_sum3A_22 = vector.multi_reduction <add>, %mul3A, %reduce_sum3A [1] : vector<128x512xf32> to vector<128xf32>
    %broadcast_in_dim3A = vector.shape_cast %reduce_sum3A_22 : vector<128xf32> to vector<128x1xf32>
    %sqrt3A = math.sqrt %broadcast_in_dim3A : vector<128x1xf32>
    %add3A_23 = arith.constant 9.99999993E-9 : f32
    %add3A_24 = vector.broadcast %add3A_23 : f32 to vector<128x1xf32>
    %add3A_25 = arith.addf %sqrt3A, %add3A_24 : vector<128x1xf32>
    %div3A = vector.broadcast %add3A_25 : vector<128x1xf32> to vector<128x512xf32>
    %div3A_26 = arith.divf %add3A_21, %div3A : vector<128x512xf32>
    %swap3A = arith.constant 0 : index
    %swap3A_27 = arith.constant 0 : index
    %swap3A_28 = vector.load %arg5[%swap3A, %swap3A_27] : memref<128x512xf32, #tpu.memory_space<vmem>>, vector<128x512xf32>
    tpu.vector_store %arg5[%swap3A, %swap3A_27], %div3A_26 {strides = array<i32>} : memref<128x512xf32, #tpu.memory_space<vmem>>, vector<128x512xf32>,
    return
  }
}

module attributes {stable_mosaic.version = 14 : i64} {
  func.func @_scores_body(%arg0: i32, %arg1: memref<128x512xf32, #tpu.memory_space<vmem>>, %arg2: memref<2048x512xf32, #tpu.memory_space<vmem>>, %arg3: memref<128x2048xf32, #tpu.memory_space<vmem>>) attributes {dimension_semantics = [#tpu.dimension_semantics<arbitrary>], iteration_bounds = array<i64: 14>, scalar_prefetch = 0 : i64, scratch_operands = 0 : i64, tpu.core_type = #tpu.core_type<tc>, window_params = [{pipeline_mode = #tpu.pipeline_mode<synchronous>, transform_indices = @transform_0, window_bounds = array<i64: 128, 512>}, {transform_indices = @transform_1, window_bounds = array<i64: 2048, 512>}, {transform_indices = @transform_2, window_bounds = array<i64: 128, 2048>}]} {
    %get3A = arith.constant 0 : index
    %get3A_0 = arith.constant 0 : index
    %get3A_1 = vector.load %arg2[%get3A, %get3A_0] : memref<2048x512xf32, #tpu.memory_space<vmem>>, vector<2048x512xf32>
    %mul3A = arith.mulf %get3A_1, %get3A_1 : vector<2048x512xf32>
    %reduce_sum3A = arith.constant dense<0.000000e+00> : vector<2048xf32>
    %reduce_sum3A_2 = vector.multi_reduction <add>, %mul3A, %reduce_sum3A [1] : vector<2048x512xf32> to vector<2048xf32>
    %broadcast_in_dim3A = vector.shape_cast %reduce_sum3A_2 : vector<2048xf32> to vector<2048x1xf32>
    %sqrt3A = math.sqrt %broadcast_in_dim3A : vector<2048x1xf32>
    %add3A = arith.constant 9.99999993E-9 : f32
    %add3A_3 = vector.broadcast %add3A : f32 to vector<2048x1xf32>
    %add3A_4 = arith.addf %sqrt3A, %add3A_3 : vector<2048x1xf32>
    %div3A = vector.broadcast %add3A_4 : vector<2048x1xf32> to vector<2048x512xf32>
    %div3A_5 = arith.divf %get3A_1, %div3A : vector<2048x512xf32>
    %get3A_6 = arith.constant 0 : index
    %get3A_7 = arith.constant 0 : index
    %get3A_8 = vector.load %arg1[%get3A_6, %get3A_7] : memref<128x512xf32, #tpu.memory_space<vmem>>, vector<128x512xf32>
    %dot_general3A = arith.constant dense<0.000000e+00> : vector<128x2048xf32>
    %dot_general3A_9 = tpu.matmul %get3A_8, %div3A_5, %dot_general3A {dimension_numbers = #tpu.dot_dimension_numbers<[1], [1], [0], [0], [0, 0, 1, 0], [], []>, transpose_lhs_hint = false} : vector<128x512xf32>, vector<2048x512xf32>, vector<128x2048xf32> -> vector<128x2048xf32>
    %mul3A_10 = arith.constant 5.000000e+01 : f32
    %mul3A_11 = vector.broadcast %mul3A_10 : f32 to vector<128x2048xf32>
    %mul3A_12 = arith.mulf %mul3A_11, %dot_general3A_9 : vector<128x2048xf32>
    %swap3A = arith.constant 0 : index
    %swap3A_13 = arith.constant 0 : index
    %swap3A_14 = vector.load %arg3[%swap3A, %swap3A_13] : memref<128x2048xf32, #tpu.memory_space<vmem>>, vector<128x2048xf32>
    tpu.vector_store %arg3[%swap3A, %swap3A_13], %mul3A_12 {strides = array<i32>} : memref<128x2048xf32, #tpu.memory_space<vmem>>, vector<128x2048xf32>,
    return
  }
  func.func @transform_0(%arg0: i32) -> (i32, i32) {
    %c0_i32 = arith.constant 0 : i32
    %c0_i32_0 = arith.constant 0 : i32
    %c0_i32_1 = arith.constant 0 : i32
    return %c0_i32, %c0_i32_0 : i32, i32
  }
  func.func @transform_1(%arg0: i32) -> (i32, i32) {
    %c0_i32 = arith.constant 0 : i32
    %c0_i32_0 = arith.constant 0 : i32
    return %arg0, %c0_i32 : i32, i32
  }
  func.func @transform_2(%arg0: i32) -> (i32, i32) {
    %c0_i32 = arith.constant 0 : i32
    %c0_i32_0 = arith.constant 0 : i32
    return %c0_i32, %arg0 : i32, i32
  }
}

</mosaic_0001>

<sc_bundles>
// kernel: kernel.6.cloned.1.call-start
scs
__scs_entry_jumppad:
0x0: {  	(pc) =	sbr.rel $0x88, $3  }
0x1: {  	(tag) =	ssettag $0x0;
	lr =	simm.s32 $0x1  }
0x2: {  	[smem:$0x3F95] =	sst lr;
	_ =	strace $0xD0000000  }
0x3: {  	_ = 	snop  }
0x4: {  	_ = 	snop  }
0x5: {  	_ = 	snop  }
0x6: {  	_ = 	snop  }
0x7: {  	_ = 	snop  }
__scs_overlays_trampoline_lowered:
0x8: {  	[smem:$0x3FA4] =	sst s0  }
0x9: {  	[smem:$0x3FA5] =	sst s1  }
0xa: {  	[smem:$0x3FA6] =	sst s2  }
0xb: {  	[smem:$0x3FA7] =	sst s3  }
0xc: {  	[smem:$0x3FA8] =	sst s4  }
0xd: {  	[smem:$0x3FA9] =	sst s5  }
0xe: {  	[smem:$0x3FAA] =	sst s6  }
0xf: {  	[smem:$0x3FAB] =	sst s7  }
0x10: {  	[smem:$0x3FAC] =	sst s8  }
0x11: {  	[smem:$0x3FAD] =	sst s9;
	s0 =	simm.s32 @!p0 $0x0  }
0x12: {  	s1 =	sld [smem:$0x3F93];
	s0 =	simm.s32 @p0 $0x1  }
0x13: {  	[smem:$0x3FAE] =	sst s0;
	s0 =	simm.s32 @!p1 $0x0  }
0x14: {  	s2 =	sld [smem:$0x3F92];
	s0 =	simm.s32 @p1 $0x1  }
0x15: {  	[smem:$0x3FAF] =	sst s0;
	s0 =	simm.s32 @!p2 $0x0  }
0x16: {  	s3 =	sld [smem:$0x3FDB];
	s0 =	simm.s32 @p2 $0x1  }
0x17: {  	s4 =	simm.s32 $0x1BF5;
	[smem:$0x3FB1] =	sst s0  }
0x18: {  	s0 =	sld [smem:$0x3F94];
	_ =	swait.ge [sflag:s4], $0x0  }
0x19: {  	s7 =	sld [smem:$0x3F95]  }
0x1a: {  	s8 =	sadd.s32 $0xFFFFE003, lr  }
0x1b: {  	s9 =	sadd.s32 $0xFFFFFEF7, lr;
	s5 =	simm.s32 $0xFFFFFFFF;
	p2 =	slt.u32 s8, $0xFFFFF086  }
0x1c: {  	p1 =	slt.u32 s9, $0xF7A;
	s5 =	simm.s32 @!p2 $0x0  }
0x1d: {  	s5 =	simm.s32 @p1 $0x1;
	p0 =	seq.s32 s7, s2  }
0x1e: {  	s7 =	smul.u32 @!p0 $0xF7A, s2;
	p2 =	seq.s32 @!p0 s5, $0x0  }
0x1f: {  	s9 =	smul.u32 $0xF7A, s1;
	s8 =	simm.s32 @!p0 $0x1BF5;
	p2 =	por !p2, p0  }
0x20: {  	[sflag:s8] =	ssyncset.s32 @!p0 $0xFFFFF086;
	s6 =	sadd.s32 @!p0 s3, s7;
	s7 =	simm.s32 @!p0 $0x108  }
0x21: {  	s3 =	sadd.s32 s3, s9;
	s6 =	sadd.s32 @!p0 $0x88, s6;
	s7 =	simm.s32 @p2 $0x1082  }
0x22: {  	[simem:s7], [sflag:s8] =	dma.local @!p0 [hbm:s6], $0xF7A  }
0x23: {  	s9 =	sor.u32 $0xD0000000, s2;
	s6 =	simm.s32 $0x108;
	_ =	swait.ge @!p0 [sflag:s8], $0x0  }
0x24: {  	s3 =	sadd.s32 $0x88, s3;
	s6 =	simm.s32 @!p1 $0x1082;
	[sflag:s4] =	ssyncset.s32 $0xFFFFF086  }
0x25: {  	[simem:s6], [sflag:s4] =	dma.local [hbm:s3], $0xF7A  }
0x26: {  	[smem:$0x3F95] =	sst s1;
	(tag) =	ssettag s2;
	_ =	strace s9  }
0x27: {  	s1 =	sld [smem:$0x3FA5]  }
0x28: {  	s2 =	sld [smem:$0x3FA6]  }
0x29: {  	s4 =	sld [smem:$0x3FA8]  }
0x2a: {  	p0 =	seq.s32 s5, $0x0;
	s5 =	sld [smem:$0x3FA9]  }
0x2b: {  	s6 =	sld [smem:$0x3FAA]  }
0x2c: {  	s7 =	sld [smem:$0x3FAB]  }
0x2d: {  	s3 =	simm.s32 $0x108;
	s8 =	sld [smem:$0x3FAC]  }
0x2e: {  	s3 =	simm.s32 @!p0 $0x1082;
	s9 =	sld [smem:$0x3FAD]  }
0x2f: {  	lr =	sadd.s32 s0, s3;
	s0 =	sld [smem:$0x3FA4]  }
0x30: {  	s3 =	sld [smem:$0x3FA7]  }
0x31: {  	[smem:$0x3FB0] =	sst s10  }
0x32: {  	s10 =	sld [smem:$0x3FAE];
	_ =	sdelay $0x3  }
0x33: {  	p0 =	seq.s32 s10, $0x1;
	s10 =	sld [smem:$0x3FB0];
	_ =	sdelay $0x3  }
0x34: {  	[smem:$0x3FB0] =	sst s10  }
0x35: {  	s10 =	sld [smem:$0x3FAF];
	_ =	sdelay $0x3  }
0x36: {  	p1 =	seq.s32 s10, $0x1;
	s10 =	sld [smem:$0x3FB0];
	_ =	sdelay $0x3  }
0x37: {  	[smem:$0x3FB0] =	sst s10  }
0x38: {  	s10 =	sld [smem:$0x3FB1]  }
0x39: {  	_ = 	snop;
	(pc) =	sbr.ind lr, $3  }
0x3a: {  	_ = 	snop  }
0x3b: {  	_ = 	snop  }
0x3c: {  	p2 =	seq.s32 s10, $0x1;
	s10 =	sld [smem:$0x3FB0]  }
0x3d: {  	_ =	shalt  }
0x3e: {  	_ =	shalt  }
0x3f: {  	_ =	shalt  }
0x40: {  	_ =	shalt  }
0x41: {  	_ =	shalt  }
0x42: {  	_ =	shalt  }
0x43: {  	_ =	shalt  }
0x44: {  	_ =	shalt  }
0x45: {  	_ =	shalt  }
0x46: {  	_ =	shalt  }
0x47: {  	_ =	shalt  }
0x48: {  	_ =	shalt  }
0x49: {  	_ =	shalt  }
0x4a: {  	_ =	shalt  }
0x4b: {  	_ =	shalt  }
0x4c: {  	_ =	shalt  }
0x4d: {  	_ =	shalt  }
0x4e: {  	_ =	shalt  }
0x4f: {  	_ =	shalt  }
0x50: {  	_ =	shalt  }
0x51: {  	_ =	shalt  }
0x52: {  	_ =	shalt  }
0x53: {  	_ =	shalt  }
0x54: {  	_ =	shalt  }
0x55: {  	_ =	shalt  }
0x56: {  	_ =	shalt  }
0x57: {  	_ =	shalt  }
0x58: {  	_ =	shalt  }
0x59: {  	_ =	shalt  }
0x5a: {  	_ =	shalt  }
0x5b: {  	_ =	shalt  }
0x5c: {  	_ =	shalt  }
0x5d: {  	_ =	shalt  }
0x5e: {  	_ =	shalt  }
0x5f: {  	_ =	shalt  }
0x60: {  	_ =	shalt  }
0x61: {  	_ =	shalt  }
0x62: {  	_ =	shalt  }
0x63: {  	_ =	shalt  }
0x64: {  	_ =	shalt  }
0x65: {  	_ =	shalt  }
0x66: {  	_ =	shalt  }
0x67: {  	_ =	shalt  }
0x68: {  	_ =	shalt  }
0x69: {  	_ =	shalt  }
0x6a: {  	_ =	shalt  }
0x6b: {  	_ =	shalt  }
0x6c: {  	_ =	shalt  }
0x6d: {  	_ =	shalt  }
0x6e: {  	_ =	shalt  }
0x6f: {  	_ =	shalt  }
0x70: {  	_ =	shalt  }
0x71: {  	_ =	shalt  }
0x72: {  	_ =	shalt  }
0x73: {  	_ =	shalt  }
0x74: {  	_ =	shalt  }
0x75: {  	_ =	shalt  }
0x76: {  	_ =	shalt  }
0x77: {  	_ =	shalt  }
0x78: {  	_ =	shalt  }
0x79: {  	_ =	shalt  }
0x7a: {  	_ =	shalt  }
0x7b: {  	_ =	shalt  }
0x7c: {  	_ =	shalt  }
0x7d: {  	_ =	shalt  }
0x7e: {  	_ =	shalt  }
0x7f: {  	_ =	shalt  }
0x80: {  	_ =	shalt  }
0x81: {  	_ =	shalt  }
0x82: {  	_ =	shalt  }
0x83: {  	_ =	shalt  }
0x84: {  	_ =	shalt  }
0x85: {  	_ =	shalt  }
0x86: {  	_ =	shalt  }
0x87: {  	_ =	shalt  }
.Lfunc_end0:
.L_simem_size_0:
called_computation.2_lowered:
.L_overlay_start_0:
0x88: {  	s2 =	sld [smem:$0x3FD9]  }
0x89: {  	s3 =	sld [smem:$0x3FFE];
	_ =	sdelay $0x1  }
0x8a: {  	s1 =	srdreg.scid  }
0x8b: {  	s0 =	sand.u32 $0x1, s1  }
0x8c: {  	s17 =	sshll.u32 s0, $0xA;
	s2 =	sadd.s32 s3, s2  }
0x8d: {  	s2 =	sadd.s32 s2, s17  }
0x8e: {  	[smem:$0x3FBC] =	sst s2  }
0x8f: {  	_ = 	snop  }
0x90: {  	s2 =	sld [smem:$0x3FD0];
	(tm) =	ssettm $0x1  }
0x91: {  	s18 =	sld [smem:$0x3FFB];
	_ =	sdelay $0x3  }
0x92: {  	_ =	strace s18  }
0x93: {  	s3 =	sld [smem:$0x3FFC];
	_ =	sdelay $0x3  }
0x94: {  	_ =	strace s3  }
0x95: {  	s3 =	sld [smem:$0x3FFD];
	_ =	sdelay $0x3  }
0x96: {  	_ =	strace s3  }
0x97: {  	_ =	strace $0x8FFFFFFF  }
0x98: {  	s19 =	sld [smem:$0x3FDB];
	_ =	sdelay $0x1  }
0x99: {  	s4 =	simm.s32 $_scs_section_size  }
0x9a: {  	s5 =	simm.s32 $_size__tile_overlayer_lowered;
	s6 =	simm.s32 $_tile_overlayer_lowered  }
0x9b: {  	s22 =	simm.s32 $0x1BFF;
	s21 =	sshll.u32 s6, $0x1;
	s3 =	sadd.s32 s4, s19  }
0x9c: {  	s7 =	simm.s32 $0x0;
	s20 =	sshll.u32 s5, $0x1;
	s5 =	sadd.s32 s21, s3  }
0x9d: {  	[timem:s7], [sflag:s22] =	dma.local [hbm:s5], s20  }
0x9e: {  	_ =	swait.ge [sflag:s22], s20  }
0x9f: {  	s4 =	ssub.s32 $0x0, s20;
	[sflag:s22] =	ssyncset.done $0x0  }
0xa0: {  	[sflag:s22] =	ssyncadd.s32 s4;
	_ =	sdelay $0x1  }
0xa1: {  	s23 =	simm.s32 $0x1B8B  }
0xa2: {  	_ =	swait.ge [sflag:s23], $0x1  }
0xa3: {  	[sflag:s23] =	ssyncset.done $0x0  }
0xa4: {  	s25 =	simm.s32 $0x1B8E;
	s24 =	sld [smem:$0x3FFE];
	[sflag:s23] =	ssyncadd.s32 $0xFFFFFFFF  }
0xa5: {  	s26 =	simm.s32 $execute0_lowered;
	[smem:$0x3FD2] =	sst s25  }
0xa6: {  	s5 =	sshll.u32 s26, $0x1;
	_ =	strace $0x80000046;
	[dreg:$0x1] =	wrdreg $0xFFFFFFFF  }
0xa7: {  	s28 =	simm.s32 $_size_execute0_lowered;
	s3 =	sadd.s32 s3, s5;
	[dreg:$0x0] =	wrdreg $0x0  }
0xa8: {  	s5 =	sshll.u32 s28, $0x1;
	[dreg:$0x2] =	wrdreg s3  }
0xa9: {  	[dreg:$0x3] =	wrdreg s5  }
0xaa: {  	[dreg:$0x4] =	wrdreg $0xC0  }
0xab: {  	_ =	task [dreg:s7], $0x5FFFF  }
0xac: {  	[dreg:$0x1] =	wrdreg $0xFFFFFFFF  }
0xad: {  	[dreg:$0x0] =	wrdreg $0x60  }
0xae: {  	[dreg:$0x2] =	wrdreg s24  }
0xaf: {  	[dreg:$0x3] =	wrdreg s2  }
0xb0: {  	[dreg:$0x4] =	wrdreg $0x9  }
0xb1: {  	_ =	task.clear_ibuf [dreg:s7], $0x5FFFF;
	_ =	strace $0x90000046  }
0xb2: {  	s29 =	simm.s32 $0x9;
	_ =	strace $0x80000048  }
0xb3: {  	_ =	swait.ge [sflag:s29], $0x1  }
0xb4: {  	[sflag:s29] =	ssyncadd.s32 $0xFFFFFFFF  }
0xb5: {  	_ =	strace $0x90000048  }
0xb6: {  	_ =	sfence  }
0xb7: {  	s30 =	sld [smem:$0x0];
	_ =	sdelay $0x2  }
0xb8: {  	s31 =	sshll.u32 s1, $0xD;
	s1 =	sshrl.u32 s1, $0x2  }
0xb9: {  	s3 =	sand.u32 $0x4000, s31;
	s1 =	sadd.s32 s1, s30  }
0xba: {  	s0 =	sor.u32 s3, s0;
	s1 =	sshll.u32 s1, $0x11  }
0xbb: {  	s0 =	sor.u32 s1, s0  }
0xbc: {  	s0 =	sadd.s32 $0x8F2B, s0  }
0xbd: {  	[sflag:s0] =	ssyncadd.remote.s32 $0x1  }
0xbe: {  	_ =	sfence.sel $0xFFFF  }
0xbf: {  	[dreg:$0x0] =	wrdreg $0xFFFFFFFF;
	(pc) =	sbr.abs _section_cstart, $3  }
0xc0: {  	[dreg:$0x1] =	wrdreg $0xFFFFFFFF  }
0xc1: {  	_ =	task.clear_ibuf [dreg:s7], $0x2FFFF;
	_ =	strace $0x9FFFFFFF  }
0xc2: {  	(tm) =	ssettm $0x7FFFFFFF  }
0xc3: {  	_ =	shalt  }
tec
execute0_lowered:
.L_overlay_start_1:
0x0: {  	(tag) =	ssettag $0x1  }
0x1: {  	s7 =	rddreg [dreg:$0x0]  }
0x2: {  	s1 =	rddreg [dreg:$0x1]  }
0x3: {  	s0 =	rddreg [dreg:$0x2]  }
0x4: {  	s2 =	simm.s32 $0x0;
	s3 =	srdreg.scid;
	s12 =	simm.s32 $0xE680  }
0x5: {  	s13 =	simm.s32 $0xED00;
	s14 =	simm.s32 $0x7000;
	s15 =	simm.s32 $0xF380  }
0x6: {  	s16 =	simm.s32 $0x0;
	[smem:$0x7FF] =	sst s2;
	s4 =	sadd.s32 $0xCE00, s7  }
0x7: {  	s8 =	sand.u32 $0x1, s3;
	s5 =	sadd.s32 $0x6C00, s7;
	s3 =	stileid.u32  }
0x8: {  	s6 =	sadd.s32 $0xA00, s7;
	s7 =	sadd.s32 $0xDC00, s7;
	s9 =	ssub.s32 $0x2, s8  }
0x9: {  	_ =	strace $0x80000047;
	s11 =	sshll.u32 s3, $0x1;
	s10 =	sshrl.u32 s9, $0x1  }
0xa: {  	s8 =	sor.u32 s8, s11;
	s11 =	simm.s32 $0xE000;
	s9 =	ssub.s32 s9, s10  }
0xb: {  	s8 =	smul.u32 $0x1840, s8;
	s10 =	simm.s32 $0x1;
	s9 =	smax.u32 s9, $0x1  }
.LBB2_1:
0xc: {  	[tilespmem:s2], [sflag:$0x1] =	stream.linear.gather [hbm4b:s4+s2], $0x7000, $0x38;
	[tilespmem:$0xFA00] =	vst v63  }
0xd: {  	_ =	swait.ge [sflag:s10], $0x7000  }
0xe: {  	[sflag:s10] =	ssyncset.done $0x0  }
0xf: {  	s19 =	simm.s32 $0x0;
	[sflag:s10] =	ssyncadd.s32 $0xFFFF9000  }
0x10: {  	v1 =	vld [tilespmem:s19+$0x0];
	_ =	sdelay $0x3  }
0x11: {  	s17 =	simm.s32 $0x10  }
0x12: {  	v0 =	vld [tilespmem:s17+$0x0];
	v2 =	vshrl.u32 v1, $0x1;
	v5 =	vmul.f32 $5.000000000e-01, v1  }
0x13: {  	v3 =	vsub.s32 $0x5F3759DF, v2  }
0x14: {  	v2 =	vmul.f32 v3, v5;
	_ =	sdelay $0x1  }
0x15: {  	v6 =	vmul.f32 v3, v2  }
0x16: {  	v7 =	vshrl.u32 v0, $0x1;
	v4 =	vmul.f32 $5.000000000e-01, v0  }
0x17: {  	s18 =	simm.s32 $0x20;
	v7 =	vsub.s32 $0x5F3759DF, v7;
	v6 =	vsub.f32 $1.500000000e+00, v6  }
0x18: {  	v8 =	vmul.f32 v7, v4;
	v2 =	vld [tilespmem:s18+$0x0]  }
0x19: {  	v6 =	vmul.f32 v3, v6  }
0x1a: {  	v9 =	vmul.f32 v7, v8  }
0x1b: {  	v10 =	vmul.f32 v6, v5  }
0x1c: {  	v9 =	vsub.f32 $1.500000000e+00, v9  }
0x1d: {  	v11 =	vshrl.u32 v2, $0x1;
	v8 =	vmul.f32 $5.000000000e-01, v2;
	v10 =	vmul.f32 v10, v6  }
0x1e: {  	s20 =	simm.s32 $0x30;
	v12 =	vsub.s32 $0x5F3759DF, v11  }
0x1f: {  	v3 =	vld [tilespmem:s20+$0x0];
	v9 =	vmul.f32 v7, v9;
	v11 =	vmul.f32 v12, v8;
	v7 =	vsub.f32 $1.500000000e+00, v10;
	_ =	sdelay $0x1  }
0x20: {  	v10 =	vmul.f32 v12, v11;
	v6 =	vmul.f32 v7, v6  }
0x21: {  	v11 =	vmul.f32 v9, v4  }
0x22: {  	v10 =	vsub.f32 $1.500000000e+00, v10;
	v5 =	vmul.f32 v6, v5  }
0x23: {  	s21 =	simm.s32 $0x40;
	v13 =	vshrl.u32 v3, $0x1;
	v7 =	vmul.f32 $5.000000000e-01, v3;
	v14 =	vmul.f32 v11, v9  }
0x24: {  	v11 =	vsub.s32 $0x5F3759DF, v13;
	v10 =	vmul.f32 v12, v10;
	v12 =	vmul.f32 v5, v6;
	v5 =	vld [tilespmem:s21+$0x0]  }
0x25: {  	v15 =	vmul.f32 v11, v7;
	_ =	sdelay $0x1  }
0x26: {  	s22 =	simm.s32 $0x140;
	v13 =	vsub.f32 $1.500000000e+00, v14;
	v15 =	vmul.f32 v11, v15;
	v14 =	vmul.f32 v10, v8  }
.LBB2_2:
0x27: {  	s23 =	sshra.s32 s22, $0x2  }
0x28: {  	v16 =	vshrl.u32 v5, $0x1;
	v13 =	vmul.f32 v13, v9;
	v12 =	vsub.f32 $1.500000000e+00, v12;
	v17 =	vmovc v5;
	v18 =	vmovc v11;
	s24 =	smov.u32 s18;
	s18 =	smov.u32 s20;
	p0 =	sne.s32 s22, $0x1BFC0  }
.Ltmp0:
0x29: {  	v9 =	vmovc v10;
	s20 =	smov.u32 s21;
	v5 =	vld [tilespmem:s23+$0x0];
	v19 =	vmul.f32 $5.000000000e-01, v17;
	v15 =	vsub.f32 $1.500000000e+00, v15;
	v14 =	vmul.f32 v14, v10;
	s21 =	smov.u32 s23;
	(pc) =	sbr.rel @p0 .LBB2_2-.Ltmp0, $4  }
0x2a: {  	s22 =	sadd.s32 $0x40, s22;
	v11 =	vsub.s32 $0x5F3759DF, v16;
	v16 =	vmul.f32 v13, v4;
	v20 =	vmul.f32 v12, v6;
	v6 =	vmovc v13;
	v4 =	vmovc v8  }
0x2b: {  	vm0 =	vgt.f32 v1, $0.0e+00;
	v1 =	vmovc v0;
	v0 =	vmovc v2;
	v21 =	vmul.f32 v11, v19;
	v10 =	vmul.f32 v18, v15  }
0x2c: {  	v2 =	vmovc v3;
	v3 =	vmovc v17;
	v13 =	vsub.f32 $1.500000000e+00, v14;
	v12 =	vmul.f32 v16, v6;
	v16 =	vnsel vm0, $0x0, v20  }
0x2d: {  	v8 =	vmovc v7;
	v15 =	vmul.f32 v11, v21;
	v14 =	vmul.f32 v10, v7;
	[tilespmem:s19+$0x7000] =	vst v16;
	v7 =	vmov v19;
	s19 =	smov.u32 s17;
	s17 =	smov.u32 s24  }
0x2e: {  	v16 =	vshrl.u32 v5, $0x1;
	v17 =	vmul.f32 $5.000000000e-01, v5  }
0x2f: {  	v16 =	vsub.s32 $0x5F3759DF, v16  }
0x30: {  	v18 =	vmul.f32 v16, v17;
	_ =	sdelay $0x1  }
0x31: {  	v18 =	vmul.f32 v16, v18  }
0x32: {  	v15 =	vsub.f32 $1.500000000e+00, v15  }
0x33: {  	v18 =	vsub.f32 $1.500000000e+00, v18  }
0x34: {  	v11 =	vmul.f32 v11, v15  }
0x35: {  	v50 =	vmul.f32 v16, v18  }
0x36: {  	v51 =	vmul.f32 v11, v7  }
0x37: {  	v14 =	vmul.f32 v14, v10;
	v18 =	vmul.f32 v50, v17  }
0x38: {  	v16 =	vmul.f32 v51, v11  }
0x39: {  	v14 =	vsub.f32 $1.500000000e+00, v14;
	v18 =	vmul.f32 v18, v50  }
0x3a: {  	v9 =	vmul.f32 v13, v9;
	v52 =	vsub.f32 $1.500000000e+00, v16  }
0x3b: {  	v53 =	vmul.f32 v14, v10;
	v54 =	vsub.f32 $1.500000000e+00, v18  }
0x3c: {  	v4 =	vmul.f32 v9, v4;
	v11 =	vmul.f32 v52, v11  }
0x3d: {  	v8 =	vmul.f32 v53, v8;
	v55 =	vmul.f32 v54, v50  }
0x3e: {  	v4 =	vmul.f32 v4, v9;
	v56 =	vmul.f32 v11, v7  }
0x3f: {  	v12 =	vsub.f32 $1.500000000e+00, v12;
	v8 =	vmul.f32 v8, v53;
	v14 =	vmul.f32 v55, v17  }
0x40: {  	vm0 =	vgt.f32 v1, $0.0e+00;
	v4 =	vsub.f32 $1.500000000e+00, v4;
	v7 =	vmul.f32 v56, v11  }
0x41: {  	v6 =	vmul.f32 v12, v6;
	v57 =	vsub.f32 $1.500000000e+00, v8;
	v58 =	vmul.f32 v14, v55  }
0x42: {  	vm12 =	vgt.f32 v0, $0.0e+00;
	v4 =	vmul.f32 v4, v9;
	v7 =	vsub.f32 $1.500000000e+00, v7  }
0x43: {  	v6 =	vnsel vm0, $0x0, v6;
	v59 =	vmul.f32 v57, v53;
	v60 =	vsub.f32 $1.500000000e+00, v58  }
0x44: {  	vm13 =	vgt.f32 v2, $0.0e+00;
	[tilespmem:s19+$0x7000] =	vst v6;
	v4 =	vnsel vm12, $0x0, v4;
	v61 =	vmul.f32 v7, v11  }
0x45: {  	vm14 =	vgt.f32 v3, $0.0e+00;
	[tilespmem:s17+$0x7000] =	vst v4;
	v0 =	vnsel vm13, $0x0, v59;
	v1 =	vmul.f32 v60, v55  }
0x46: {  	vm15 =	vgt.f32 v5, $0.0e+00;
	[tilespmem:s18+$0x7000] =	vst v0;
	v62 =	vnsel vm14, $0x0, v61  }
0x47: {  	[tilespmem:s20+$0x7000] =	vst v62;
	v63 =	vnsel vm15, $0x0, v1  }
0x48: {  	s17 =	simm.s32 $0x0;
	s18 =	simm.s32 $0x0;
	[tilespmem:s21+$0x7000] =	vst v63  }
.LBB2_4:
0x49: {  	s19 =	smul.u32 $0x610, s18;
	_ =	sdelay $0x1  }
0x4a: {  	s19 =	sadd.s32 s8, s19  }
0x4b: {  	s19 =	sshrl.u32 s19, $0x3  }
0x4c: {  	s20 =	sadd.s32 s1, s19  }
0x4d: {  	[tilespmem:s11], [sflag:$0x1] =	stream.linear.gather [hbm4b:s20+s17], $0x610, $0x38;
	[tilespmem:$0xFA00] =	vst v63  }
0x4e: {  	_ =	swait.ge [sflag:s10], $0x610  }
0x4f: {  	[sflag:s10] =	ssyncset.done $0x0  }
0x50: {  	s30 =	sadd.s32 s5, s19;
	[sflag:s10] =	ssyncadd.s32 $0xFFFFF9F0  }
0x51: {  	[tilespmem:s12], [sflag:$0x1] =	stream.linear.gather [hbm4b:s30+s17], $0x610, $0x38;
	[tilespmem:$0xFA00] =	vst v63  }
0x52: {  	_ =	swait.ge [sflag:s10], $0x610  }
0x53: {  	[sflag:s10] =	ssyncset.done $0x0  }
0x54: {  	s31 =	sadd.s32 s6, s19;
	[sflag:s10] =	ssyncadd.s32 $0xFFFFF9F0  }
0x55: {  	[tilespmem:s13], [sflag:$0x1] =	stream.linear.gather [hbm4b:s31+s17], $0x610, $0x38;
	[tilespmem:$0xFA00] =	vst v63  }
0x56: {  	_ =	swait.ge [sflag:s10], $0x610  }
0x57: {  	[sflag:s10] =	ssyncset.done $0x0  }
0x58: {  	s20 =	simm.s32 $0x0;
	[sflag:s10] =	ssyncadd.s32 $0xFFFFF9F0  }
0x59: {  	v0 =	vld [tilespmem:s20+$0xE000]  }
0x5a: {  	v2 =	vld [tilespmem:s20+$0xE680];
	_ =	sdelay $0x5  }
0x5b: {  	v1 =	vld [tilespmem:s20+$0xED00]  }
0x5c: {  	v0 =	vld.idx.msk [tilespmem:v0+s14+$0x0], $0xffff  }
0x5d: {  	s21 =	simm.s32 $0x10;
	s22 =	simm.s32 $0x80;
	v2 =	vld.idx.msk [tilespmem:v2+s14+$0x0], $0xffff  }
.LBB2_5:
0x5e: {  	p0 =	sne.s32 s22, $0x1800;
	v3 =	vld [tilespmem:s21+$0xE000];
	_ =	sdelay $0x1  }
0x5f: {  	v4 =	vld [tilespmem:s21+$0xE680]  }
0x60: {  	v0 =	vmul.f32 v1, v0;
	_ =	sdelay $0x1  }
0x61: {  	v0 =	vmul.f32 v0, v2  }
.Ltmp1:
0x62: {  	(pc) =	sbr.rel @p0 .LBB2_5-.Ltmp1, $4  }
0x63: {  	[tilespmem:s20+$0xF380] =	vst v0;
	s20 =	smov.u32 s21  }
0x64: {  	v0 =	vld.idx.msk [tilespmem:v3+s14+$0x0], $0xffff  }
0x65: {  	v1 =	vld [tilespmem:s20+$0xED00]  }
0x66: {  	s21 =	sshra.s32 s22, $0x2;
	s22 =	sadd.s32 $0x40, s22;
	v2 =	vld.idx.msk [tilespmem:v4+s14+$0x0], $0xffff  }
0x67: {  	v3 =	vld [tilespmem:s21+$0xE000];
	_ =	sdelay $0x2  }
0x68: {  	v4 =	vld [tilespmem:s21+$0xE680];
	v0 =	vmul.f32 v1, v0;
	_ =	sdelay $0x1  }
0x69: {  	v0 =	vmul.f32 v0, v2;
	_ =	sdelay $0x1  }
0x6a: {  	[tilespmem:s20+$0xF380] =	vst v0  }
0x6b: {  	v0 =	vld.idx.msk [tilespmem:v3+s14+$0x0], $0xffff  }
0x6c: {  	v62 =	vld [tilespmem:s21+$0xED00];
	_ =	sdelay $0x1  }
0x6d: {  	v63 =	vld.idx.msk [tilespmem:v4+s14+$0x0], $0xffff;
	_ =	sdelay $0x2  }
0x6e: {  	v0 =	vmul.f32 v62, v0;
	_ =	sdelay $0x1  }
0x6f: {  	s18 =	sadd.s32 $0x1, s18;
	v0 =	vmul.f32 v0, v63  }
0x70: {  	p0 =	sne.s32 s18, $0x4  }
.Ltmp2:
0x71: {  	s19 =	sadd.s32 s7, s19;
	[tilespmem:s21+$0xF380] =	vst v0;
	(pc) =	sbr.rel @p0 .LBB2_4-.Ltmp2, $4  }
0x72: {  	[hbm4b:s19+s2] =	stream.linear.scatter [tilespmem:s15], [sflag:$0x1], $0x610, $0x38;
	[tilespmem:$0xFA00] =	vst v63  }
0x73: {  	_ =	swait.ge [sflag:s10], $0x610  }
0x74: {  	[sflag:s10] =	ssyncset.done $0x0  }
0x75: {  	[sflag:s10] =	ssyncadd.s32 $0xFFFFF9F0  }
0x76: {  	s16 =	sadd.s32 $0x1, s16  }
0x77: {  	p0 =	sne.s32 s16, s9  }
.Ltmp3:
0x78: {  	_ = 	snop;
	(pc) =	sbr.rel @p0 .LBB2_1-.Ltmp3, $1  }
0x79: {  	_ =	sdelay $0x3  }
0x7a: {  	_ =	sfence.sel $0x180000  }
0x7b: {  	[bflag:$0x0] =	sbarrier.arrive $0xFFFF  }
0x7c: {  	p0 =	sne.s32 s3, $0x0;
	_ =	strace $0x90000047  }
0x7d: {  	s0 =	sadd.s32 @!p0 $0x100000, s0;
	[bflag:$0x2] =	sbarrier.arrive $0xFFFF  }
0x7e: {  	[sflag:s0] =	ssyncadd.tile.s32 @!p0 $0x1;
	_ =	shalt  }
.Lfunc_end2:
_tile_overlayer_lowered:
.L_overlay_start_2:
0x7f: {  	(tag) =	ssettag $0x2  }
0x80: {  	s0 =	rddreg [dreg:$0x0];
	s2 =	stileid.u32  }
0x81: {  	s1 =	rddreg [dreg:$0x1];
	p0 =	sne.s32 s2, $0x0  }
0x82: {  	s3 =	rddreg [dreg:$0x2];
	[bflag:$0x3] =	sbarrier.arrive $0xFFFF;
	s2 =	simm.s32 @!p0 $0x1C01  }
0x83: {  	[timem:s3], [sflag:s2] =	dma.local @!p0 [hbm:s0], s1  }
0x84: {  	s0 =	simm.s32 @!p0 $0x1  }
0x85: {  	_ =	swait.ge @!p0 [sflag:s0], s1  }
0x86: {  	s1 =	ssub.s32 @!p0 $0x0, s1;
	[sflag:s0] =	ssyncset.done @!p0 $0x0  }
0x87: {  	[sflag:s0] =	ssyncadd.s32 @!p0 s1  }
0x88: {  	[bflag:$0x3] =	sbarrier.arrive $0xFFFF  }
0x89: {  	_ =	shalt  }

// kernel: scatter_offload_async_start.1
scs
__scs_entry_jumppad:
0x0: {  	(pc) =	sbr.rel $0x88, $3  }
0x1: {  	(tag) =	ssettag $0x0;
	lr =	simm.s32 $0x1  }
0x2: {  	[smem:$0x3F95] =	sst lr;
	_ =	strace $0xD0000000  }
0x3: {  	_ = 	snop  }
0x4: {  	_ = 	snop  }
0x5: {  	_ = 	snop  }
0x6: {  	_ = 	snop  }
0x7: {  	_ = 	snop  }
__scs_overlays_trampoline_lowered:
0x8: {  	[smem:$0x3FA4] =	sst s0  }
0x9: {  	[smem:$0x3FA5] =	sst s1  }
0xa: {  	[smem:$0x3FA6] =	sst s2  }
0xb: {  	[smem:$0x3FA7] =	sst s3  }
0xc: {  	[smem:$0x3FA8] =	sst s4  }
0xd: {  	[smem:$0x3FA9] =	sst s5  }
0xe: {  	[smem:$0x3FAA] =	sst s6  }
0xf: {  	[smem:$0x3FAB] =	sst s7  }
0x10: {  	[smem:$0x3FAC] =	sst s8  }
0x11: {  	[smem:$0x3FAD] =	sst s9;
	s0 =	simm.s32 @!p0 $0x0  }
0x12: {  	s1 =	sld [smem:$0x3F93];
	s0 =	simm.s32 @p0 $0x1  }
0x13: {  	[smem:$0x3FAE] =	sst s0;
	s0 =	simm.s32 @!p1 $0x0  }
0x14: {  	s2 =	sld [smem:$0x3F92];
	s0 =	simm.s32 @p1 $0x1  }
0x15: {  	[smem:$0x3FAF] =	sst s0;
	s0 =	simm.s32 @!p2 $0x0  }
0x16: {  	s3 =	sld [smem:$0x3FDB];
	s0 =	simm.s32 @p2 $0x1  }
0x17: {  	s4 =	simm.s32 $0x1BF5;
	[smem:$0x3FB1] =	sst s0  }
0x18: {  	s0 =	sld [smem:$0x3F94];
	_ =	swait.ge [sflag:s4], $0x0  }
0x19: {  	s7 =	sld [smem:$0x3F95]  }
0x1a: {  	s8 =	sadd.s32 $0xFFFFE003, lr  }
0x1b: {  	s9 =	sadd.s32 $0xFFFFFEF7, lr;
	s5 =	simm.s32 $0xFFFFFFFF;
	p2 =	slt.u32 s8, $0xFFFFF086  }
0x1c: {  	p1 =	slt.u32 s9, $0xF7A;
	s5 =	simm.s32 @!p2 $0x0  }
0x1d: {  	s5 =	simm.s32 @p1 $0x1;
	p0 =	seq.s32 s7, s2  }
0x1e: {  	s7 =	smul.u32 @!p0 $0xF7A, s2;
	p2 =	seq.s32 @!p0 s5, $0x0  }
0x1f: {  	s9 =	smul.u32 $0xF7A, s1;
	s8 =	simm.s32 @!p0 $0x1BF5;
	p2 =	por !p2, p0  }
0x20: {  	[sflag:s8] =	ssyncset.s32 @!p0 $0xFFFFF086;
	s6 =	sadd.s32 @!p0 s3, s7;
	s7 =	simm.s32 @!p0 $0x108  }
0x21: {  	s3 =	sadd.s32 s3, s9;
	s6 =	sadd.s32 @!p0 $0x88, s6;
	s7 =	simm.s32 @p2 $0x1082  }
0x22: {  	[simem:s7], [sflag:s8] =	dma.local @!p0 [hbm:s6], $0xF7A  }
0x23: {  	s9 =	sor.u32 $0xD0000000, s2;
	s6 =	simm.s32 $0x108;
	_ =	swait.ge @!p0 [sflag:s8], $0x0  }
0x24: {  	s3 =	sadd.s32 $0x88, s3;
	s6 =	simm.s32 @!p1 $0x1082;
	[sflag:s4] =	ssyncset.s32 $0xFFFFF086  }
0x25: {  	[simem:s6], [sflag:s4] =	dma.local [hbm:s3], $0xF7A  }
0x26: {  	[smem:$0x3F95] =	sst s1;
	(tag) =	ssettag s2;
	_ =	strace s9  }
0x27: {  	s1 =	sld [smem:$0x3FA5]  }
0x28: {  	s2 =	sld [smem:$0x3FA6]  }
0x29: {  	s4 =	sld [smem:$0x3FA8]  }
0x2a: {  	p0 =	seq.s32 s5, $0x0;
	s5 =	sld [smem:$0x3FA9]  }
0x2b: {  	s6 =	sld [smem:$0x3FAA]  }
0x2c: {  	s7 =	sld [smem:$0x3FAB]  }
0x2d: {  	s3 =	simm.s32 $0x108;
	s8 =	sld [smem:$0x3FAC]  }
0x2e: {  	s3 =	simm.s32 @!p0 $0x1082;
	s9 =	sld [smem:$0x3FAD]  }
0x2f: {  	lr =	sadd.s32 s0, s3;
	s0 =	sld [smem:$0x3FA4]  }
0x30: {  	s3 =	sld [smem:$0x3FA7]  }
0x31: {  	[smem:$0x3FB0] =	sst s10  }
0x32: {  	s10 =	sld [smem:$0x3FAE];
	_ =	sdelay $0x3  }
0x33: {  	p0 =	seq.s32 s10, $0x1;
	s10 =	sld [smem:$0x3FB0];
	_ =	sdelay $0x3  }
0x34: {  	[smem:$0x3FB0] =	sst s10  }
0x35: {  	s10 =	sld [smem:$0x3FAF];
	_ =	sdelay $0x3  }
0x36: {  	p1 =	seq.s32 s10, $0x1;
	s10 =	sld [smem:$0x3FB0];
	_ =	sdelay $0x3  }
0x37: {  	[smem:$0x3FB0] =	sst s10  }
0x38: {  	s10 =	sld [smem:$0x3FB1]  }
0x39: {  	_ = 	snop;
	(pc) =	sbr.ind lr, $3  }
0x3a: {  	_ = 	snop  }
0x3b: {  	_ = 	snop  }
0x3c: {  	p2 =	seq.s32 s10, $0x1;
	s10 =	sld [smem:$0x3FB0]  }
0x3d: {  	_ =	shalt  }
0x3e: {  	_ =	shalt  }
0x3f: {  	_ =	shalt  }
0x40: {  	_ =	shalt  }
0x41: {  	_ =	shalt  }
0x42: {  	_ =	shalt  }
0x43: {  	_ =	shalt  }
0x44: {  	_ =	shalt  }
0x45: {  	_ =	shalt  }
0x46: {  	_ =	shalt  }
0x47: {  	_ =	shalt  }
0x48: {  	_ =	shalt  }
0x49: {  	_ =	shalt  }
0x4a: {  	_ =	shalt  }
0x4b: {  	_ =	shalt  }
0x4c: {  	_ =	shalt  }
0x4d: {  	_ =	shalt  }
0x4e: {  	_ =	shalt  }
0x4f: {  	_ =	shalt  }
0x50: {  	_ =	shalt  }
0x51: {  	_ =	shalt  }
0x52: {  	_ =	shalt  }
0x53: {  	_ =	shalt  }
0x54: {  	_ =	shalt  }
0x55: {  	_ =	shalt  }
0x56: {  	_ =	shalt  }
0x57: {  	_ =	shalt  }
0x58: {  	_ =	shalt  }
0x59: {  	_ =	shalt  }
0x5a: {  	_ =	shalt  }
0x5b: {  	_ =	shalt  }
0x5c: {  	_ =	shalt  }
0x5d: {  	_ =	shalt  }
0x5e: {  	_ =	shalt  }
0x5f: {  	_ =	shalt  }
0x60: {  	_ =	shalt  }
0x61: {  	_ =	shalt  }
0x62: {  	_ =	shalt  }
0x63: {  	_ =	shalt  }
0x64: {  	_ =	shalt  }
0x65: {  	_ =	shalt  }
0x66: {  	_ =	shalt  }
0x67: {  	_ =	shalt  }
0x68: {  	_ =	shalt  }
0x69: {  	_ =	shalt  }
0x6a: {  	_ =	shalt  }
0x6b: {  	_ =	shalt  }
0x6c: {  	_ =	shalt  }
0x6d: {  	_ =	shalt  }
0x6e: {  	_ =	shalt  }
0x6f: {  	_ =	shalt  }
0x70: {  	_ =	shalt  }
0x71: {  	_ =	shalt  }
0x72: {  	_ =	shalt  }
0x73: {  	_ =	shalt  }
0x74: {  	_ =	shalt  }
0x75: {  	_ =	shalt  }
0x76: {  	_ =	shalt  }
0x77: {  	_ =	shalt  }
0x78: {  	_ =	shalt  }
0x79: {  	_ =	shalt  }
0x7a: {  	_ =	shalt  }
0x7b: {  	_ =	shalt  }
0x7c: {  	_ =	shalt  }
0x7d: {  	_ =	shalt  }
0x7e: {  	_ =	shalt  }
0x7f: {  	_ =	shalt  }
0x80: {  	_ =	shalt  }
0x81: {  	_ =	shalt  }
0x82: {  	_ =	shalt  }
0x83: {  	_ =	shalt  }
0x84: {  	_ =	shalt  }
0x85: {  	_ =	shalt  }
0x86: {  	_ =	shalt  }
0x87: {  	_ =	shalt  }
.Lfunc_end0:
.L_simem_size_0:
called_computation.1_lowered:
.L_overlay_start_0:
0x88: {  	s0 =	sld [smem:$0x3FD9]  }
0x89: {  	s1 =	sld [smem:$0x3FFE];
	_ =	sdelay $0x3  }
0x8a: {  	s0 =	sadd.s32 s1, s0  }
0x8b: {  	[smem:$0x3FBC] =	sst s0  }
0x8c: {  	_ = 	snop  }
0x8d: {  	(tm) =	ssettm $0x1  }
0x8e: {  	s15 =	sld [smem:$0x3FFB];
	_ =	sdelay $0x3  }
0x8f: {  	_ =	strace s15  }
0x90: {  	s0 =	sld [smem:$0x3FFC];
	_ =	sdelay $0x3  }
0x91: {  	_ =	strace s0  }
0x92: {  	s0 =	sld [smem:$0x3FFD];
	_ =	sdelay $0x3  }
0x93: {  	_ =	strace s0  }
0x94: {  	_ =	strace $0x8FFFFFFF  }
0x95: {  	s16 =	sld [smem:$0x3FDB];
	_ =	sdelay $0x1  }
0x96: {  	s17 =	simm.s32 $_scs_section_size  }
0x97: {  	s2 =	simm.s32 $_size__tile_overlayer_lowered;
	s3 =	simm.s32 $_tile_overlayer_lowered  }
0x98: {  	s20 =	simm.s32 $0x1BFF;
	s19 =	sshll.u32 s3, $0x1;
	s0 =	sadd.s32 s17, s16  }
0x99: {  	s4 =	simm.s32 $0x0;
	s18 =	sshll.u32 s2, $0x1;
	s2 =	sadd.s32 s19, s0  }
0x9a: {  	[timem:s4], [sflag:s20] =	dma.local [hbm:s2], s18  }
0x9b: {  	_ =	swait.ge [sflag:s20], s18  }
0x9c: {  	s1 =	ssub.s32 $0x0, s18;
	[sflag:s20] =	ssyncset.done $0x0  }
0x9d: {  	[sflag:s20] =	ssyncadd.s32 s1;
	_ =	sdelay $0x1  }
0x9e: {  	s21 =	simm.s32 $0x1B8B  }
0x9f: {  	_ =	swait.ge [sflag:s21], $0x1  }
0xa0: {  	[sflag:s21] =	ssyncset.done $0x0  }
0xa1: {  	s23 =	simm.s32 $0x1B8E;
	s22 =	sld [smem:$0x3FFE];
	[sflag:s21] =	ssyncadd.s32 $0xFFFFFFFF  }
0xa2: {  	s24 =	simm.s32 $execute0_lowered;
	[smem:$0x3FD2] =	sst s23  }
0xa3: {  	s2 =	sshll.u32 s24, $0x1;
	_ =	strace $0x8000004C;
	[dreg:$0x1] =	wrdreg $0xFFFFFFFF  }
0xa4: {  	s25 =	simm.s32 $_size_execute0_lowered;
	s0 =	sadd.s32 s0, s2;
	[dreg:$0x0] =	wrdreg $0x0  }
0xa5: {  	s2 =	sshll.u32 s25, $0x1;
	[dreg:$0x2] =	wrdreg s0  }
0xa6: {  	[dreg:$0x3] =	wrdreg s2  }
0xa7: {  	[dreg:$0x4] =	wrdreg $0xC0  }
0xa8: {  	_ =	task [dreg:s4], $0x5FFFF  }
0xa9: {  	[dreg:$0x1] =	wrdreg $0xFFFFFFFF  }
0xaa: {  	[dreg:$0x0] =	wrdreg $0x60  }
0xab: {  	[dreg:$0x2] =	wrdreg s22  }
0xac: {  	[dreg:$0x3] =	wrdreg $0x9  }
0xad: {  	_ =	task.clear_ibuf [dreg:s4], $0x4FFFF;
	_ =	strace $0x9000004C  }
0xae: {  	s26 =	simm.s32 $0x9;
	_ =	strace $0x8000004E  }
0xaf: {  	_ =	swait.ge [sflag:s26], $0x1  }
0xb0: {  	[sflag:s26] =	ssyncadd.s32 $0xFFFFFFFF  }
0xb1: {  	_ =	strace $0x9000004E  }
0xb2: {  	_ =	sfence  }
0xb3: {  	s28 =	sld [smem:$0x0];
	_ =	sdelay $0x1  }
0xb4: {  	s29 =	srdreg.scid  }
0xb5: {  	s30 =	sshll.u32 s29, $0xD;
	s31 =	sshrl.u32 s29, $0x2  }
0xb6: {  	s1 =	sand.u32 $0x1, s29;
	s2 =	sand.u32 $0x4000, s30;
	s0 =	sadd.s32 s31, s28  }
0xb7: {  	s1 =	sor.u32 s2, s1;
	s0 =	sshll.u32 s0, $0x11  }
0xb8: {  	s0 =	sor.u32 s0, s1  }
0xb9: {  	s0 =	sadd.s32 $0x8F2B, s0  }
0xba: {  	[sflag:s0] =	ssyncadd.remote.s32 $0x1  }
0xbb: {  	_ =	sfence.sel $0xFFFF  }
0xbc: {  	[dreg:$0x0] =	wrdreg $0xFFFFFFFF;
	(pc) =	sbr.abs _section_cstart, $3  }
0xbd: {  	[dreg:$0x1] =	wrdreg $0xFFFFFFFF  }
0xbe: {  	_ =	task.clear_ibuf [dreg:s4], $0x2FFFF;
	_ =	strace $0x9FFFFFFF  }
0xbf: {  	(tm) =	ssettm $0x7FFFFFFF  }
tec
execute0_lowered:
.L_overlay_start_1:
0x0: {  	(tag) =	ssettag $0x1  }
0x1: {  	s2 =	rddreg [dreg:$0x0];
	_ =	strace $0x8000004D;
	s0 =	simm.s32 $0x1  }
0x2: {  	v0 =	vimm.s32 $0x0;
	[sflag:s0] =	ssyncpa.u1 $0x0;
	s0 =	simm.s32 $0x408  }
0x3: {  	[tilespmem:s0+$0x70] =	vst v0  }
0x4: {  	[tilespmem:s0+$0x60] =	vst v0  }
0x5: {  	[tilespmem:s0+$0x50] =	vst v0  }
0x6: {  	[tilespmem:s0+$0x40] =	vst v0  }
0x7: {  	[tilespmem:s0+$0x30] =	vst v0  }
0x8: {  	s1 =	sadd.s32 $0x16EA00, s2;
	s10 =	sadd.s32 $0x162600, s2;
	[tilespmem:s0+$0x20] =	vst v0  }
0x9: {  	s4 =	sadd.s32 $0x332A00, s2;
	s7 =	sadd.s32 $0x168800, s2;
	s2 =	simm.s32 $0x40;
	[tilespmem:s0+$0x10] =	vst v0  }
.LBB2_1:
0xa: {  	s2 =	sadd.s32 $0x40, s2;
	[tilespmem:s0+$0x0] =	vst v0;
	s0 =	sadd.s32 $0x80, s0  }
0xb: {  	p0 =	slt.u32 s2, $0x3100;
	[tilespmem:s0+$0x70] =	vst v0  }
0xc: {  	[tilespmem:s0+$0x60] =	vst v0  }
.Ltmp0:
0xd: {  	[tilespmem:s0+$0x50] =	vst v0;
	(pc) =	sbr.rel @p0 .LBB2_1-.Ltmp0, $4  }
0xe: {  	[tilespmem:s0+$0x40] =	vst v0  }
0xf: {  	[tilespmem:s0+$0x30] =	vst v0  }
0x10: {  	[tilespmem:s0+$0x20] =	vst v0  }
0x11: {  	[tilespmem:s0+$0x10] =	vst v0  }
0x12: {  	s3 =	stileid.u32  }
0x13: {  	s2 =	smul.u32 $0x101, s3  }
0x14: {  	s6 =	smin.u32 s3, $0x5  }
0x15: {  	s2 =	sadd.s32 s6, s2  }
0x16: {  	p0 =	slt.u32 s3, $0x5;
	s6 =	smul.u32 $0x30, s2;
	s2 =	simm.s32 $0x3060  }
0x17: {  	s2 =	simm.s32 @!p0 $0x3030  }
0x18: {  	s2 =	sadd.s32 s2, s6  }
0x19: {  	s12 =	smin.u32 s2, $0x303D1  }
0x1a: {  	s2 =	ssub.s32 s12, s6  }
0x1b: {  	p0 =	sgt.s32 s2, $0x0  }
0x1c: {  	s5 =	simm.s32 $0x2;
	s30 =	simm.s32 $0x7;
	s2 =	simm.s32 @!p0 $0x0  }
0x1d: {  	s8 =	simm.s32 $0x8;
	s31 =	simm.s32 $0x9;
	s29 =	smulhi.u32 $0x2AAAAAAB, s2  }
0x1e: {  	s11 =	simm.s32 $0x1;
	s21 =	simm.s32 $0x0;
	p1 =	por $0x0, $0x0  }
0x1f: {  	[tilespmem:s0+$0x0] =	vst v0;
	s15 =	simm.s32 $0x80;
	s16 =	simm.s32 $0x400;
	s0 =	sshrl.u32 s29, $0x3  }
0x20: {  	s18 =	simm.s32 $0x0;
	s20 =	simm.s32 $0x0;
	s9 =	smul.u32 $0x30, s0  }
0x21: {  	[sflag:s5] =	ssyncpa.u1 $0x0;
	s13 =	sshll.u32 s3, $0xA;
	s5 =	simm.s32 $0xA  }
.Ltmp1:
0x22: {  	v0 =	vimm.s32 $0xFFFFFFFF;
	p0 =	sne.s32 s2, s9;
	s2 =	simm.s32 $0x1;
	(pc) =	sbr.rel .LBB2_3-.Ltmp1, $4  }
0x23: {  	[tilespmem:$0xC808] =	vst v0;
	[sflag:s30] =	ssyncpa.u1 $0x0;
	[dreg:$0x2] =	wrdreg s6;
	s2 =	simm.s32 @!p0 $0x0  }
0x24: {  	[sflag:s8] =	ssyncpa.u1 $0x0;
	[dreg:$0x3] =	wrdreg s12;
	s14 =	sadd.s32 s2, s0  }
0x25: {  	[sflag:s31] =	ssyncpa.u1 $0x0;
	s17 =	sadd.s32 $0x1, s14;
	[dreg:$0x4] =	wrdreg s14  }
0x26: {  	v0 =	vlaneseq.u32;
	s19 =	smov.u32 s6;
	p0 =	por $0x1, $0x1;
	[dreg:$0x5] =	wrdreg s17  }
.LBB2_30:
0x27: {  	s0 =	sshrl.u32 s29, $0x2;
	s5 =	simm.s32 $0xA  }
.LBB2_32:
0x28: {  	_ =	swait.ge [sflag:s5], s0  }
0x29: {  	s31 =	ssub.s32 $0x0, s0;
	v1 =	vmov s23;
	vm0 =	veq.s32 v0, $0x0;
	[sflag:s5] =	ssyncset.done $0x0  }
0x2a: {  	vm15 =	veq.s32 v0, $0x2;
	v1 =	vsel vm0, s28, v1;
	[sflag:s5] =	ssyncadd.s32 s31  }
0x2b: {  	v1 =	vsel vm15, s21, v1;
	[sflag:s5] =	ssyncpa.u1 $0x1  }
0x2c: {  	[tilespmem:$0xC808] =	vst v1  }
.LBB2_33:
0x2d: {  	s0 =	sadd.s32 $0x30, s19  }
0x2e: {  	s2 =	smov.u32 s6;
	p2 =	slt.s32 s0, s12  }
0x2f: {  	s2 =	smov.u32 @p2 s0;
	p2 =	sne.s32 s20, s17  }
.Ltmp2:
0x30: {  	_ = 	snop;
	(pc) =	sbr.rel @!p2 .LBB2_34-.Ltmp2, $4  }
0x31: {  	_ = 	snop  }
0x32: {  	s21 =	smov.u32 s18  }
0x33: {  	s31 =	sadd.s32 $0x1, s20;
	s18 =	smov.u32 s19;
	p0 =	por !p0, !p0  }
0x34: {  	p1 =	por !p1, !p1;
	s20 =	smov.u32 s31;
	s19 =	smov.u32 s2  }
.LBB2_3:
0x35: {  	p2 =	sge.u32 s20, s14  }
0x36: {  	s0 =	smulhi.u32 @!p2 $0xAAAAAAAB, s20  }
0x37: {  	s2 =	smov.u32 s19;
	p3 =	sgt.s32 @!p2 s19, $0x303A1  }
0x38: {  	s8 =	sshra.s32 @!p2 s19, $0x1F;
	p3 =	por !p3, p2;
	s0 =	sshrl.u32 @!p2 s0, $0x1  }
0x39: {  	s8 =	sand.u32 @!p2 s8, s19;
	s2 =	simm.s32 @p3 $0x303A1;
	s0 =	smul.u32 @!p2 $0x3, s0  }
0x3a: {  	s2 =	ssub.s32 @!p2 s2, s8  }
0x3b: {  	s2 =	sadd.s32 @!p2 $0xFFFCFC5F, s2;
	s0 =	ssub.s32 @!p2 s20, s0  }
0x3c: {  	s8 =	sshll.u32 @!p2 s2, $0x2;
	p3 =	sgt.s32 @!p2 s2, $0x2F;
	s0 =	smul.u32 @!p2 $0xC0, s0  }
0x3d: {  	s9 =	sand.u32 @!p2 $0x7, s19;
	s2 =	ssub.s32 @!p2 $0xC0, s8;
	p3 =	por !p3, p2  }
0x3e: {  	s8 =	sshrl.u32 @!p2 s19, $0x3;
	s2 =	sshrl.u32 @!p2 s2, $0x2;
	s0 =	sshrl.u32 @!p2 s0, $0x2  }
0x3f: {  	s8 =	sadd.s32 @!p2 s7, s8;
	s2 =	simm.s32 @!p3 $0x0;
	s0 =	sadd.s32 @!p2 $0x10838, s0  }
0x40: {  	[tilespmem:s0], [sflag:$0x8] =	stream.linear.gather @!p2 [hbm4b:s8+s9], s2, $0x38;
	[tilespmem:$0x1C928] =	vst v63  }
0x41: {  	s2 =	sadd.s32 $0xFFFFFFFF, s20  }
0x42: {  	p2 =	sge.u32 s2, s14  }
0x43: {  	p3 =	sgt.s32 @!p2 s18, $0x303A1  }
0x44: {  	s0 =	smov.u32 s18;
	s8 =	sshra.s32 @!p2 s18, $0x1F;
	p3 =	por !p3, p2  }
0x45: {  	s8 =	sand.u32 @!p2 s8, s18;
	s0 =	simm.s32 @p3 $0x303A1  }
0x46: {  	s0 =	ssub.s32 @!p2 s0, s8  }
0x47: {  	s0 =	sadd.s32 @!p2 $0xFFFCFC5F, s0  }
0x48: {  	s8 =	sshll.u32 @!p2 s0, $0x2  }
0x49: {  	p3 =	sgt.s32 @!p2 s0, $0x2F;
	s0 =	ssub.s32 @!p2 $0xC0, s8  }
0x4a: {  	p3 =	por !p3, p2;
	s0 =	sshrl.u32 @!p2 s0, $0x2  }
0x4b: {  	s9 =	simm.s32 @!p2 $0x8;
	s8 =	sand.u32 @!p2 $0x1, s2;
	s0 =	simm.s32 @!p3 $0x0  }
0x4c: {  	s8 =	smul.u32 @!p2 $0xC0, s8;
	_ =	swait.ge @!p2 [sflag:s9], s0  }
0x4d: {  	s22 =	ssub.s32 @!p2 $0x0, s0;
	[sflag:s9] =	ssyncset.done @!p2 $0x0  }
0x4e: {  	s8 =	sshrl.u32 @!p2 s8, $0x2;
	[sflag:s9] =	ssyncadd.s32 @!p2 s22;
	s9 =	sshrl.u32 @!p2 s18, $0x3  }
0x4f: {  	s8 =	sor.u32 @!p2 $0x108C8, s8;
	s22 =	sand.u32 @!p2 $0x7, s18;
	s9 =	sadd.s32 @!p2 s10, s9  }
0x50: {  	[tilespmem:s8], [sflag:$0x9] =	stream.linear.gather @!p2 [hbm4b:s9+s22], s0, $0x38;
	[tilespmem:$0x1C928] =	vst v63  }
0x51: {  	s0 =	ssub.s32 @!p2 $0x303D1, s18  }
0x52: {  	p3 =	slt.s32 @!p2 s0, $0x1  }
0x53: {  	p3 =	por p2, p3  }
.Ltmp3:
0x54: {  	_ = 	snop;
	(pc) =	sbr.rel @p3 .LBB2_9-.Ltmp3, $1  }
0x55: {  	_ =	sdelay $0x3  }
0x56: {  	s8 =	smulhi.u32 $0xAAAAAAAB, s2;
	_ =	sdelay $0x1  }
0x57: {  	s8 =	sshrl.u32 s8, $0x1  }
0x58: {  	s8 =	smul.u32 $0x3, s8;
	_ =	sdelay $0x1  }
0x59: {  	s29 =	ssub.s32 s2, s8  }
0x5a: {  	s9 =	simm.s32 $0x1;
	s2 =	smul.u32 $0xC0, s29  }
.Ltmp4:
0x5b: {  	s9 =	simm.s32 @!p0 $0x0;
	(pc) =	sbr.rel .LBB2_6-.Ltmp4, $4  }
0x5c: {  	s30 =	smul.u32 $0x18000, s9  }
0x5d: {  	p3 =	slt.s32 @!p2 s0, $0x30;
	s2 =	sshrl.u32 s2, $0x2  }
0x5e: {  	p2 =	por !p3, p2;
	s8 =	sshrl.u32 s30, $0x2;
	s31 =	sadd.s32 $0x10838, s2  }
0x5f: {  	s0 =	simm.s32 @p2 $0x30;
	s22 =	sor.u32 $0x10928, s8;
	s2 =	simm.s32 $0x0;
	v1 =	vmov s31  }
.LBB2_5:
0x60: {  	p2 =	sge.s32 s2, s0  }
.Ltmp5:
0x61: {  	_ = 	snop;
	(pc) =	sbr.rel @p2 .LBB2_9-.Ltmp5, $2  }
0x62: {  	_ =	sdelay $0x2  }
0x63: {  	s22 =	sadd.s32 $0x2000, s22  }
.LBB2_6:
0x64: {  	p2 =	sle.s32 s0, s2  }
.Ltmp6:
0x65: {  	_ = 	snop;
	(pc) =	sbr.rel @p2 .LBB2_5-.Ltmp6, $2  }
0x66: {  	_ =	sdelay $0x2  }
0x67: {  	s8 =	smov.u32 s2;
	s2 =	sadd.s32 $0x10, s2  }
0x68: {  	s9 =	ssub.s32 s0, s8  }
0x69: {  	p2 =	slt.s32 s9, $0x10  }
0x6a: {  	s9 =	simm.s32 @!p2 $0x10  }
0x6b: {  	v2 =	vmov s9  }
0x6c: {  	vm0 =	vgt.s32 v2, v0;
	_ =	sdelay $0x5  }
0x6d: {  	v2 =	vld.idx.msk [tilespmem:v1+s8+$0x0 ss:$0x1], vm0;
	_ =	sdelay $0x2  }
0x6e: {  	s23 =	smov.u32 s0;
	p2 =	slt.s32 s2, s0  }
0x6f: {  	s24 =	smov.u32 s22;
	s25 =	simm.s32 $0x0;
	s23 =	smov.u32 @p2 s2  }
.LBB2_8:
0x70: {  	(v2sf) =	vpush v2, s25;
	_ =	sdelay $0xe  }
0x71: {  	s25 =	sadd.s32 $0x1, s25;
	s9 =	spop (v2sf)  }
0x72: {  	s31 =	sadd.s32 s25, s8;
	s26 =	sshll.u32 s9, $0x9;
	s9 =	sshll.u32 s9, $0x7  }
0x73: {  	p2 =	slt.s32 s31, s23;
	s26 =	sand.u32 $0xFFFFF000, s26;
	s9 =	sand.u32 $0x380, s9  }
.Ltmp7:
0x74: {  	s9 =	sor.u32 s9, s26;
	(pc) =	sbr.rel @p2 .LBB2_8-.Ltmp7, $4  }
0x75: {  	s9 =	sshrl.u32 s9, $0x3  }
0x76: {  	s9 =	sadd.s32 s4, s9  }
0x77: {  	[tilespmem:s24], [sflag:$0x7] =	stream.strided.gather [hbm4b:s9+s15], $0x200, s16, s15, $0x38;
	[tilespmem:$0x1C928] =	vst v63  }
0x78: {  	s24 =	sadd.s32 $0x200, s24  }
.Ltmp8:
0x79: {  	_ = 	snop;
	(pc) =	sbr.rel .LBB2_5-.Ltmp8, $1  }
0x7a: {  	_ =	sdelay $0x3  }
.LBB2_9:
0x7b: {  	p2 =	slt.u32 s20, $0x2  }
.Ltmp9:
0x7c: {  	_ = 	snop;
	(pc) =	sbr.rel @p2 .LBB2_33-.Ltmp9, $1  }
0x7d: {  	_ =	sdelay $0x3  }
0x7e: {  	p2 =	sgt.s32 s21, $0x303A1;
	s0 =	smov.u32 s21  }
0x7f: {  	s2 =	sshra.s32 s21, $0x1F;
	s8 =	ssub.s32 $0x303D1, s21;
	s0 =	simm.s32 @!p2 $0x303A1  }
0x80: {  	s2 =	sand.u32 s2, s21;
	p2 =	slt.s32 s8, $0x30;
	s9 =	smov.u32 s8  }
0x81: {  	s0 =	ssub.s32 s0, s2;
	s9 =	simm.s32 @!p2 $0x30  }
0x82: {  	s0 =	sadd.s32 $0xFFFCFC5F, s0;
	s25 =	sshll.u32 s9, $0x9  }
0x83: {  	s3 =	simm.s32 $0x7;
	s26 =	sshll.u32 s0, $0x2;
	s2 =	sand.u32 $0x3FFFFE00, s25  }
0x84: {  	p2 =	sgt.s32 s0, $0x2F;
	s28 =	ssub.s32 $0xC0, s26;
	_ =	swait.ge [sflag:s3], s2  }
0x85: {  	s2 =	ssub.s32 $0x0, s2;
	[sflag:s3] =	ssyncset.done $0x0;
	s0 =	sshrl.u32 s28, $0x2  }
0x86: {  	s30 =	simm.s32 $0x9;
	[sflag:s3] =	ssyncadd.s32 s2;
	s0 =	simm.s32 @p2 $0x0  }
0x87: {  	_ =	swait.ge [sflag:s30], s0  }
0x88: {  	s0 =	ssub.s32 $0x0, s0;
	[sflag:s30] =	ssyncset.done $0x0  }
0x89: {  	[sflag:s30] =	ssyncadd.s32 s0  }
0x8a: {  	v1 =	vld [tilespmem:$0xC808];
	_ =	sdelay $0x4  }
0x8b: {  	(v2sf) =	vpush v1, $0x0  }
0x8c: {  	(v2sf) =	vpush v1, $0x1  }
0x8d: {  	(v2sf) =	vpush v1, $0x2;
	_ =	sdelay $0x3  }
0x8e: {  	s0 =	sadd.s32 $0x30, s21  }
0x8f: {  	p2 =	slt.s32 s12, s0  }
0x90: {  	s0 =	smov.u32 @p2 s12;
	p2 =	sgt.s32 s8, $0x0  }
0x91: {  	s22 =	ssub.s32 s0, s21;
	s8 =	simm.s32 @!p2 $0x0  }
0x92: {  	p2 =	slt.s32 s8, s22  }
0x93: {  	s22 =	smov.u32 @p2 s8  }
0x94: {  	s24 =	simm.s32 $0x1;
	p2 =	slt.s32 s22, $0x1  }
.Ltmp10:
0x95: {  	s24 =	simm.s32 @!p1 $0x0;
	(pc) =	sbr.rel @p2 .LBB2_14-.Ltmp10, $4  }
0x96: {  	s31 =	smul.u32 $0xC0, s24  }
0x97: {  	s0 =	spop (v2sf)  }
0x98: {  	s2 =	sshrl.u32 s31, $0x2;
	s25 =	spop (v2sf)  }
0x99: {  	s29 =	sor.u32 $0x108C8, s2;
	s21 =	spop (v2sf)  }
0x9a: {  	s2 =	smin.u32 s22, $0x10  }
0x9b: {  	v1 =	vmov s2  }
0x9c: {  	vm1 =	vgt.u32 v1, v0  }
0x9d: {  	p3 =	sgt.s32 s22, $0x10  }
.Ltmp11:
0x9e: {  	_ = 	snop;
	(pc) =	sbr.rel @!p3 .LBB2_13-.Ltmp11, $2  }
0x9f: {  	_ =	sdelay $0x2  }
0xa0: {  	s8 =	simm.s32 $0x10;
	s23 =	sadd.s32 $0xFFFFFFF0, s22;
	s2 =	smov.u32 s29;
	vm0 =	vmmov vm1;
	v1 =	vld.msk [tilespmem:s29+$0x0 ss:$0x1], vm1  }
.LBB2_12:
0xa1: {  	s9 =	smin.u32 s23, $0x10;
	s8 =	sadd.s32 $0x10, s8  }
0xa2: {  	v2 =	vmov s9;
	p3 =	slt.s32 s8, s22  }
0xa3: {  	vm1 =	vgt.u32 v2, v0;
	_ =	sdelay $0x1  }
0xa4: {  	v2 =	vshll.u32 v1, $0x6;
	v1 =	vshll.u32 v1, $0x4  }
.Ltmp12:
0xa5: {  	v2 =	vand.u32 $0xFFFFFE00, v2;
	v1 =	vand.u32 $0x70, v1;
	(pc) =	sbr.rel @p3 .LBB2_12-.Ltmp12, $4  }
0xa6: {  	v1 =	vor.u32 v1, v2  }
0xa7: {  	[tilespmem:s2+$0x0] =	vst.msk vm0, v1;
	s2 =	sadd.s32 $0x10, s2;
	vm0 =	vmmov vm1  }
0xa8: {  	v1 =	vld.msk [tilespmem:s2+$0x0 ss:$0x1], vm1  }
0xa9: {  	s23 =	sadd.s32 $0xFFFFFFF0, s23  }
.LBB2_13:
0xaa: {  	_ =	sdelay $0x3  }
0xab: {  	v2 =	vshll.u32 v1, $0x6;
	v1 =	vshll.u32 v1, $0x4  }
0xac: {  	v2 =	vand.u32 $0xFFFFFE00, v2;
	v1 =	vand.u32 $0x70, v1  }
0xad: {  	v1 =	vor.u32 v1, v2  }
0xae: {  	[tilespmem:s2+$0x0] =	vst.msk vm0, v1  }
.LBB2_14:
0xaf: {  	s2 =	sand.u32 $0x1, s20  }
0xb0: {  	s2 =	smul.u32 $0x30, s2  }
0xb1: {  	p3 =	sne.s32 s25, $0xFFFFFFFF  }
0xb2: {  	v1 =	vld.msk @!p3 [tilespmem:s2+$0x108C8], $0x1;
	_ =	sdelay $0x4  }
0xb3: {  	(v2sf) =	vpush @!p3 v1, $0x0;
	_ =	sdelay $0xc  }
.Ltmp13:
0xb4: {  	_ = 	snop;
	(pc) =	sbr.rel @p2 .LBB2_31-.Ltmp13, $4  }
0xb5: {  	_ = 	snop  }
0xb6: {  	s26 =	spop @!p3 (v2sf)  }
0xb7: {  	s21 =	simm.s32 @!p3 $0x0;
	s23 =	smov.u32 s26  }
0xb8: {  	[sflag:s5] =	ssyncpa.u1 $0x0;
	s26 =	smov.u32 @p3 s0;
	s23 =	smov.u32 @p3 s25  }
0xb9: {  	v1 =	vld.msk [tilespmem:s29+$0x0], $0x1;
	_ =	sdelay $0x4  }
0xba: {  	(v2sf) =	vpush v1, $0x0;
	_ =	sdelay $0xe  }
0xbb: {  	s31 =	spop (v2sf)  }
0xbc: {  	s12 =	smov.u32 s7;
	s7 =	smov.u32 s10;
	p2 =	seq.s32 s26, s31  }
0xbd: {  	s0 =	smul.u32 $0x18000, s24;
	s28 =	sadd.s32 $0x108C8, s2;
	p3 =	sgt.s32 @!p2 s26, $0x0  }
0xbe: {  	s17 =	ssub.s32 $0x0, s22;
	s2 =	smov.u32 s26;
	p3 =	por !p3, p2  }
0xbf: {  	s25 =	simm.s32 $0x0;
	s29 =	sadd.s32 $0x1, s29;
	s2 =	simm.s32 @p3 $0x0  }
0xc0: {  	s30 =	sadd.s32 $0x1, s17;
	s8 =	simm.s32 @!p2 $0x6608;
	s9 =	smin.u32 @!p2 s2, $0x1BDC70  }
0xc1: {  	p3 =	seq.s32 s30, $0x0;
	s2 =	sand.u32 @!p2 $0x1FFFF8, s9;
	s10 =	sadd.s32 @!p2 $0x80, s9  }
0xc2: {  	s5 =	sadd.s32 @!p2 s1, s2;
	s2 =	sand.u32 @!p2 $0x7, s9;
	s10 =	sand.u32 @!p2 $0x3FFFF8, s10  }
0xc3: {  	[tilespmem:s8], [sflag:$0x2] =	stream.linear.gather @!p2 [hbm4b:s5+s2], $0x80, $0x38;
	[tilespmem:$0x1C928] =	vst v63  }
0xc4: {  	s3 =	sadd.s32 @!p2 $0x100, s9;
	s5 =	simm.s32 @!p2 $0x6688;
	s8 =	sadd.s32 @!p2 s1, s10  }
0xc5: {  	[tilespmem:s5], [sflag:$0x2] =	stream.linear.gather @!p2 [hbm4b:s8+s2], $0x80, $0x38;
	[tilespmem:$0x1C928] =	vst v63  }
.Ltmp14:
0xc6: {  	s0 =	sshrl.u32 s0, $0x2;
	s3 =	sand.u32 @!p2 $0x3FFFF8, s3;
	(pc) =	sbr.rel @p3 .LBB2_17-.Ltmp14, $4  }
0xc7: {  	s3 =	sadd.s32 @!p2 s1, s3;
	s5 =	simm.s32 @!p2 $0x6708;
	s8 =	sadd.s32 @!p2 $0x180, s9  }
0xc8: {  	[tilespmem:s5], [sflag:$0x2] =	stream.linear.gather @!p2 [hbm4b:s3+s2], $0x80, $0x38;
	[tilespmem:$0x1C928] =	vst v63  }
0xc9: {  	s24 =	sor.u32 $0x10928, s0;
	s0 =	simm.s32 @!p2 $0x1;
	s3 =	sand.u32 @!p2 $0x3FFFF8, s8  }
0xca: {  	s0 =	smov.u32 @p2 s25;
	s8 =	simm.s32 @!p2 $0x6788;
	s9 =	sadd.s32 @!p2 s1, s3  }
.LBB2_16:
0xcb: {  	s3 =	smov.u32 s0  }
0xcc: {  	[tilespmem:s8], [sflag:$0x2] =	stream.linear.gather @!p2 [hbm4b:s9+s2], $0x80, $0x38;
	[tilespmem:$0x1C928] =	vst v63  }
0xcd: {  	s30 =	sadd.s32 $0x1, s30;
	s2 =	smov.u32 s31  }
0xce: {  	p3 =	seq.s32 s30, $0x0;
	v1 =	vld.msk [tilespmem:s29+$0x0], $0x1;
	_ =	sdelay $0x4  }
0xcf: {  	(v2sf) =	vpush v1, $0x0;
	_ =	sdelay $0xe  }
0xd0: {  	s31 =	spop (v2sf)  }
0xd1: {  	p2 =	seq.s32 s2, s31  }
0xd2: {  	p4 =	sgt.s32 @!p2 s2, $0x0;
	s5 =	sshll.u32 @!p2 s0, $0xB;
	s0 =	sadd.s32 @!p2 $0x1, s0  }
0xd3: {  	p4 =	por !p4, p2;
	s5 =	sshra.s32 @!p2 s5, $0x2;
	s0 =	smov.u32 @p2 s3  }
0xd4: {  	s2 =	simm.s32 @p4 $0x0;
	s3 =	sadd.s32 @!p2 $0x6608, s5;
	s9 =	sadd.s32 @!p2 $0x6688, s5  }
0xd5: {  	s14 =	sadd.s32 @!p2 $0x6708, s5;
	s8 =	sadd.s32 @!p2 $0x6788, s5;
	s10 =	smin.u32 @!p2 s2, $0x1BDC70  }
0xd6: {  	s2 =	sand.u32 @!p2 $0x1FFFF8, s10;
	s5 =	sadd.s32 @!p2 $0x80, s10;
	s6 =	sadd.s32 @!p2 $0x100, s10  }
0xd7: {  	s17 =	sadd.s32 @!p2 s1, s2;
	s2 =	sand.u32 @!p2 $0x7, s10;
	s5 =	sand.u32 @!p2 $0x3FFFF8, s5  }
0xd8: {  	[tilespmem:s3], [sflag:$0x2] =	stream.linear.gather @!p2 [hbm4b:s17+s2], $0x80, $0x38;
	[tilespmem:$0x1C928] =	vst v63  }
0xd9: {  	s3 =	sadd.s32 @!p2 s1, s5  }
.Ltmp15:
0xda: {  	s5 =	sand.u32 @!p2 $0x3FFFF8, s6;
	s6 =	sadd.s32 @!p2 $0x180, s10;
	(pc) =	sbr.rel @!p3 .LBB2_16-.Ltmp15, $4  }
0xdb: {  	[tilespmem:s9], [sflag:$0x2] =	stream.linear.gather @!p2 [hbm4b:s3+s2], $0x80, $0x38;
	[tilespmem:$0x1C928] =	vst v63  }
0xdc: {  	s3 =	sadd.s32 @!p2 s1, s5;
	s5 =	sand.u32 @!p2 $0x3FFFF8, s6  }
0xdd: {  	[tilespmem:s14], [sflag:$0x2] =	stream.linear.gather @!p2 [hbm4b:s3+s2], $0x80, $0x38;
	[tilespmem:$0x1C928] =	vst v63  }
0xde: {  	s29 =	sadd.s32 $0x1, s29;
	s9 =	sadd.s32 @!p2 s1, s5  }
.LBB2_17:
0xdf: {  	[tilespmem:s8], [sflag:$0x2] =	stream.linear.gather @!p2 [hbm4b:s9+s2], $0x80, $0x38;
	[tilespmem:$0x1C928] =	vst v63  }
0xe0: {  	s0 =	sshll.u32 s0, $0x9  }
0xe1: {  	s31 =	simm.s32 $0x2;
	s0 =	sand.u32 $0x3FFFFE00, s0  }
.Ltmp16:
0xe2: {  	_ =	swait.ge [sflag:s31], s0;
	(pc) =	sbr.rel .LBB2_18-.Ltmp16, $4  }
0xe3: {  	s29 =	simm.s32 $0x0;
	s6 =	rddreg [dreg:$0x2]  }
0xe4: {  	s10 =	smov.u32 s7;
	s7 =	smov.u32 s12;
	s12 =	rddreg [dreg:$0x3]  }
0xe5: {  	s0 =	ssub.s32 $0x0, s0;
	[sflag:s31] =	ssyncset.done $0x0;
	s14 =	rddreg [dreg:$0x4]  }
0xe6: {  	v1 =	vmov s28;
	s30 =	simm.s32 $0x0;
	s17 =	rddreg [dreg:$0x5];
	[sflag:s31] =	ssyncadd.s32 s0  }
.LBB2_28:
0xe7: {  	[tilespmem:s0+$0x0] =	vst v2;
	s25 =	sadd.s32 $0x1, s25  }
.LBB2_29:
0xe8: {  	s30 =	sadd.s32 $0x1, s30  }
0xe9: {  	p2 =	sne.s32 s30, s22  }
.Ltmp17:
0xea: {  	_ = 	snop;
	(pc) =	sbr.rel @!p2 .LBB2_30-.Ltmp17, $2  }
0xeb: {  	_ =	sdelay $0x2  }
0xec: {  	s24 =	sadd.s32 $0x200, s24;
	s26 =	smov.u32 s28  }
.LBB2_18:
0xed: {  	_ =	sdelay $0x3  }
0xee: {  	v2 =	vld.idx.msk [tilespmem:v1+s30+$0x0 ss:$0x1], $0x1;
	_ =	sdelay $0x4  }
0xef: {  	(v2sf) =	vpush v2, $0x0;
	_ =	sdelay $0xe  }
0xf0: {  	s28 =	spop (v2sf)  }
0xf1: {  	p2 =	sne.s32 s26, s28  }
.Ltmp18:
0xf2: {  	_ = 	snop;
	(pc) =	sbr.rel @p2 .LBB2_22-.Ltmp18, $3  }
0xf3: {  	_ =	sdelay $0x1  }
0xf4: {  	s0 =	sshll.u32 s21, $0xB  }
0xf5: {  	s0 =	sshra.s32 s0, $0x2  }
0xf6: {  	s0 =	sadd.s32 $0x408, s0;
	s2 =	simm.s32 $0x0;
	v2 =	vld [tilespmem:s24+$0x0];
	s8 =	smov.u32 s24  }
.LBB2_20:
0xf7: {  	s2 =	sadd.s32 $0x10, s2  }
0xf8: {  	p2 =	slt.u32 s2, $0x1F0  }
.Ltmp19:
0xf9: {  	_ = 	snop;
	(pc) =	sbr.rel @p2 .LBB2_20-.Ltmp19, $3  }
0xfa: {  	_ =	sdelay $0x1  }
0xfb: {  	s8 =	sadd.s32 $0x10, s8;
	[tilespmem:s0+$0x0] =	vst.add.f32.msk $0xffff, v2;
	s0 =	sadd.s32 $0x10, s0  }
0xfc: {  	v2 =	vld [tilespmem:s8+$0x0]  }
.Ltmp20:
0xfd: {  	_ = 	snop;
	(pc) =	sbr.rel .LBB2_29-.Ltmp20, $2  }
0xfe: {  	_ =	sdelay $0x2  }
0xff: {  	[tilespmem:s0+$0x0] =	vst.add.f32.msk $0xffff, v2  }
.LBB2_22:
0x100: {  	p2 =	seq.s32 s26, s23  }
.Ltmp21:
0x101: {  	_ = 	snop;
	(pc) =	sbr.rel @!p2 .LBB2_23-.Ltmp21, $1  }
0x102: {  	_ =	sdelay $0x3  }
.Ltmp22:
0x103: {  	s0 =	sadd.s32 $0x408, s0;
	(pc) =	sbr.rel .LBB2_26-.Ltmp22, $4  }
0x104: {  	[spmem:s13] =	stream.linear.scatter [tilespmem:s0], [sflag:$0x1], $0x200, $0x38;
	[tilespmem:$0x1C928] =	vst v63  }
0x105: {  	_ =	swait.ge [sflag:s11], $0x200  }
0x106: {  	[sflag:s11] =	ssyncset.done $0x0  }
0x107: {  	[sflag:s11] =	ssyncadd.s32 $0xFFFFFE00  }
.LBB2_23:
0x108: {  	s2 =	sshll.u32 s25, $0xB  }
0x109: {  	s2 =	sshra.s32 s2, $0x2  }
0x10a: {  	s8 =	sadd.s32 $0x6608, s2;
	s2 =	sadd.s32 $0x408, s0  }
0x10b: {  	s9 =	simm.s32 $0x0;
	v2 =	vld [tilespmem:s8+$0x0];
	s31 =	smov.u32 s2  }
.LBB2_24:
0x10c: {  	s9 =	sadd.s32 $0x10, s9  }
0x10d: {  	p2 =	slt.u32 s9, $0x1F0  }
.Ltmp23:
0x10e: {  	_ = 	snop;
	(pc) =	sbr.rel @p2 .LBB2_24-.Ltmp23, $3  }
0x10f: {  	_ =	sdelay $0x1  }
0x110: {  	s8 =	sadd.s32 $0x10, s8;
	[tilespmem:s31+$0x0] =	vst.add.f32.msk $0xffff, v2;
	s31 =	sadd.s32 $0x10, s31  }
0x111: {  	v2 =	vld [tilespmem:s8+$0x0]  }
0x112: {  	_ =	sdelay $0x1  }
0x113: {  	p2 =	sgt.u32 s26, $0x1BDC70  }
0x114: {  	s3 =	sand.u32 @!p2 $0x1FFFF8, s26  }
0x115: {  	s5 =	sand.u32 @!p2 $0x7, s26;
	s3 =	sadd.s32 @!p2 s1, s3;
	[tilespmem:s31+$0x0] =	vst.add.f32.msk $0xffff, v2  }
0x116: {  	[hbm4b:s3+s5] =	stream.linear.scatter @!p2 [tilespmem:s2], [sflag:$0xA], $0x80, $0x38;
	[tilespmem:$0x1C928] =	vst v63  }
0x117: {  	s2 =	sadd.s32 @!p2 $0x80, s26  }
0x118: {  	s2 =	sand.u32 @!p2 $0x3FFFF8, s2  }
0x119: {  	s3 =	sadd.s32 @!p2 $0x488, s0;
	s2 =	sadd.s32 @!p2 s1, s2  }
0x11a: {  	[hbm4b:s2+s5] =	stream.linear.scatter @!p2 [tilespmem:s3], [sflag:$0xA], $0x80, $0x38;
	[tilespmem:$0x1C928] =	vst v63  }
0x11b: {  	s2 =	sadd.s32 @!p2 $0x100, s26  }
0x11c: {  	s2 =	sand.u32 @!p2 $0x3FFFF8, s2  }
0x11d: {  	s3 =	sadd.s32 @!p2 $0x508, s0;
	s2 =	sadd.s32 @!p2 s1, s2  }
0x11e: {  	[hbm4b:s2+s5] =	stream.linear.scatter @!p2 [tilespmem:s3], [sflag:$0xA], $0x80, $0x38;
	[tilespmem:$0x1C928] =	vst v63  }
0x11f: {  	s2 =	sadd.s32 @!p2 $0x180, s26;
	s3 =	simm.s32 $0x0  }
0x120: {  	s2 =	sand.u32 @!p2 $0x3FFFF8, s2;
	s3 =	simm.s32 @!p2 $0x800  }
0x121: {  	s0 =	sadd.s32 @!p2 $0x588, s0;
	s2 =	sadd.s32 @!p2 s1, s2;
	s29 =	sadd.s32 s3, s29  }
0x122: {  	[hbm4b:s2+s5] =	stream.linear.scatter @!p2 [tilespmem:s0], [sflag:$0xA], $0x80, $0x38;
	[tilespmem:$0x1C928] =	vst v63  }
.LBB2_26:
0x123: {  	s0 =	sadd.s32 $0x1, s21  }
0x124: {  	s2 =	smulhi.u32 $0xAAAAAAAB, s0;
	_ =	sdelay $0x1  }
0x125: {  	s2 =	sshrl.u32 s2, $0x5  }
0x126: {  	s2 =	smul.u32 $0x30, s2;
	_ =	sdelay $0x1  }
0x127: {  	s21 =	ssub.s32 s0, s2  }
0x128: {  	s0 =	sshll.u32 s21, $0x9  }
0x129: {  	v2 =	vld [tilespmem:s24+$0x0];
	s8 =	smov.u32 s24;
	s2 =	simm.s32 $0x0;
	s0 =	sadd.s32 $0x408, s0  }
.LBB2_27:
0x12a: {  	s2 =	sadd.s32 $0x10, s2  }
0x12b: {  	p2 =	slt.u32 s2, $0x1F0  }
.Ltmp24:
0x12c: {  	_ = 	snop;
	(pc) =	sbr.rel @p2 .LBB2_27-.Ltmp24, $3  }
0x12d: {  	_ =	sdelay $0x1  }
0x12e: {  	[tilespmem:s0+$0x0] =	vst v2;
	s0 =	sadd.s32 $0x10, s0;
	s8 =	sadd.s32 $0x10, s8  }
0x12f: {  	v2 =	vld [tilespmem:s8+$0x0]  }
.Ltmp25:
0x130: {  	_ = 	snop;
	(pc) =	sbr.rel .LBB2_28-.Ltmp25, $1  }
0x131: {  	_ =	sdelay $0x3  }
.LBB2_31:
.Ltmp26:
0x132: {  	(pc) =	sbr.rel .LBB2_32-.Ltmp26, $4  }
0x133: {  	_ = 	snop  }
0x134: {  	s0 =	simm.s32 $0x2  }
0x135: {  	_ =	swait.ge [sflag:s0], $0x0  }
0x136: {  	s28 =	smov.u32 s26;
	[sflag:s0] =	ssyncset.done $0x0;
	s0 =	simm.s32 $0x0  }
.LBB2_34:
0x137: {  	_ =	sfence.sel $0x180000  }
0x138: {  	s0 =	simm.s32 $0x7;
	[bflag:$0x0] =	sbarrier.arrive $0xFFFF  }
0x139: {  	s25 =	simm.s32 $0x8;
	[sflag:s0] =	ssyncpa.u1 $0x1  }
0x13a: {  	s26 =	simm.s32 $0x9;
	[sflag:s25] =	ssyncpa.u1 $0x1  }
0x13b: {  	s28 =	simm.s32 $0x2;
	[sflag:s26] =	ssyncpa.u1 $0x1  }
0x13c: {  	[sflag:s28] =	ssyncpa.u1 $0x1  }
0x13d: {  	v0 =	vld [tilespmem:$0xC808];
	_ =	sdelay $0x4  }
0x13e: {  	(v2sf) =	vpush v0, $0x0  }
0x13f: {  	(v2sf) =	vpush v0, $0x1;
	_ =	sdelay $0x1  }
0x140: {  	(v2sf) =	vpush v0, $0x2;
	_ =	sdelay $0xb  }
0x141: {  	s0 =	spop (v2sf)  }
0x142: {  	s2 =	spop (v2sf)  }
0x143: {  	s3 =	smov.u32 s0;
	p0 =	sne.s32 s0, s2  }
0x144: {  	s4 =	spop (v2sf);
	s3 =	simm.s32 @!p0 $0xFFFFFFFF  }
0x145: {  	v2 =	vimm.s32 $0x1;
	v3 =	vlaneseq.u32;
	p0 =	seq.s32 s4, $0xFFFFFFFF;
	v1 =	vmov s3  }
0x146: {  	s7 =	stileid.u32;
	v0 =	vperm.xlane v0, v2;
	p1 =	sne.s32 @!p0 s0, s2;
	v1 =	vperm.xlane v1, v3  }
0x147: {  	vm0 =	vcmask $0x3F04;
	s6 =	simm.s32 $0xC808;
	s0 =	simm.s32 @!p0 $0x1;
	p1 =	por !p1, p0  }
0x148: {  	s3 =	sshll.u32 s7, $0x1;
	s2 =	sshll.u32 @!p0 s4, $0xB;
	s0 =	simm.s32 @p1 $0x0;
	v0 =	vsel vm0, v1, v0  }
0x149: {  	s5 =	sor.u32 $0x4000, s3;
	s2 =	sshra.s32 @!p0 s2, $0x2;
	s0 =	sor.u32 @!p0 s0, s3;
	[tilespmem:$0xC808] =	vst v0  }
0x14a: {  	[spmem:s5] =	stream.linear.scatter [tilespmem:s6], [sflag:$0x1], $0x2, $0x38;
	[tilespmem:$0x1C928] =	vst v63  }
0x14b: {  	s2 =	sadd.s32 @!p0 $0x408, s2;
	s0 =	sshll.u32 @!p0 s0, $0x9  }
0x14c: {  	[spmem:s0] =	stream.linear.scatter @!p0 [tilespmem:s2], [sflag:$0x1], $0x200, $0x38;
	[tilespmem:$0x1C928] =	vst v63  }
0x14d: {  	s2 =	simm.s32 @!p0 $0x202  }
0x14e: {  	s0 =	simm.s32 $0x1;
	s2 =	simm.s32 @p0 $0x2  }
0x14f: {  	_ =	swait.ge [sflag:s0], s2  }
0x150: {  	s2 =	ssub.s32 $0x0, s2;
	[sflag:s0] =	ssyncset.done $0x0  }
0x151: {  	[sflag:s0] =	ssyncadd.s32 s2  }
0x152: {  	_ =	sfence.stream.spmem  }
0x153: {  	s29 =	simm.s32 $0x3;
	[bflag:$0x0] =	sbarrier.arrive $0xFFFF  }
0x154: {  	s30 =	simm.s32 $0x4;
	[sflag:s29] =	ssyncpa.u1 $0x1  }
0x155: {  	s31 =	simm.s32 $0x3C;
	[sflag:s30] =	ssyncpa.u1 $0x1  }
0x156: {  	p0 =	sne.s32 s7, $0x0;
	[sflag:s31] =	ssyncpa.u1 $0x1  }
0x157: {  	_ =	sfence @p0  }
0x158: {  	[sflag:s0] =	ssyncpa.u1 @p0 $0x1  }
0x159: {  	_ =	strace @p0 $0x9000004D  }
0x15a: {  	[bflag:$0x2] =	sbarrier.arrive @p0 $0xFFFF  }
0x15b: {  	_ =	shalt @p0  }
.LBB2_35:
0x15c: {  	_ =	sfence.stream.spmem;
	s0 =	simm.s32 $0x5  }
0x15d: {  	s2 =	simm.s32 $0x4000;
	s3 =	simm.s32 $0xC818;
	[sflag:s0] =	ssyncpa.u1 $0x0  }
0x15e: {  	[tilespmem:s3], [sflag:$0x5] =	stream.linear.gather [spmem:s2], $0x20, $0x38;
	[tilespmem:$0x1C928] =	vst v63  }
0x15f: {  	s2 =	simm.s32 $0x0;
	s3 =	simm.s32 $0xC838  }
0x160: {  	[tilespmem:s3], [sflag:$0x5] =	stream.linear.gather [spmem:s2], $0x4000, $0x38;
	[tilespmem:$0x1C928] =	vst v63  }
.Ltmp27:
0x161: {  	_ = 	snop;
	(pc) =	sbr.rel .LBB2_36-.Ltmp27, $4  }
0x162: {  	_ =	swait.ge [sflag:s0], $0x4020  }
0x163: {  	s4 =	simm.s32 $0x6;
	[sflag:s0] =	ssyncset.done $0x0  }
0x164: {  	s5 =	simm.s32 $0xC688;
	s6 =	simm.s32 $0xC708;
	[sflag:s0] =	ssyncadd.s32 $0xFFFFBFE0  }
0x165: {  	s7 =	simm.s32 $0xC788;
	s8 =	simm.s32 $0x0;
	[sflag:s4] =	ssyncpa.u1 $0x0  }
.LBB2_51:
0x166: {  	s8 =	sadd.s32 $0x1, s8  }
0x167: {  	p0 =	sne.s32 s8, $0x20  }
.Ltmp28:
0x168: {  	_ = 	snop;
	(pc) =	sbr.rel @!p0 .LBB2_52-.Ltmp28, $2  }
0x169: {  	_ =	sdelay $0x2  }
0x16a: {  	s3 =	sadd.s32 $0x200, s3  }
.LBB2_36:
0x16b: {  	v0 =	vld.msk [tilespmem:s8+$0xC818], $0x1;
	_ =	sdelay $0x4  }
0x16c: {  	(v2sf) =	vpush v0, $0x0;
	_ =	sdelay $0xe  }
0x16d: {  	s9 =	spop (v2sf)  }
0x16e: {  	p0 =	seq.s32 s9, $0xFFFFFFFF  }
.Ltmp29:
0x16f: {  	_ = 	snop;
	(pc) =	sbr.rel @p0 .LBB2_51-.Ltmp29, $1  }
0x170: {  	_ =	sdelay $0x3  }
0x171: {  	p0 =	slt.s32 s2, $0x1  }
.Ltmp30:
0x172: {  	_ = 	snop;
	(pc) =	sbr.rel @p0 .LBB2_44-.Ltmp30, $1  }
0x173: {  	_ =	sdelay $0x3  }
0x174: {  	s0 =	simm.s32 $0xC818;
	p0 =	por $0x0, $0x0  }
0x175: {  	v1 =	vld.msk @!p0 [tilespmem:s0+$0x0], $0x1;
	_ =	sdelay $0x4  }
0x176: {  	(v2sf) =	vpush @!p0 v1, $0x0;
	_ =	sdelay $0xd  }
0x177: {  	p2 =	sne.s32 s2, $0x1  }
.Ltmp31:
0x178: {  	s10 =	spop @!p0 (v2sf);
	(pc) =	sbr.rel @!p2 .LBB2_40-.Ltmp31, $4  }
0x179: {  	p1 =	seq.s32 @!p0 s9, s10  }
0x17a: {  	s10 =	simm.s32 $0x0;
	p1 =	por !p1, p0  }
0x17b: {  	s12 =	simm.s32 $0xFFFFFFFF;
	s10 =	simm.s32 @p1 $0xFFFFFFFF  }
0x17c: {  	s11 =	simm.s32 $0x1;
	s10 =	smov.u32 @p0 s12  }
.LBB2_39:
0x17d: {  	s12 =	smov.u32 s10;
	p0 =	sne.s32 s10, $0xFFFFFFFF  }
0x17e: {  	s0 =	sadd.s32 $0x1, s0;
	s10 =	smov.u32 s11;
	s11 =	sadd.s32 $0x1, s11  }
0x17f: {  	p1 =	sne.s32 s2, s11;
	v1 =	vld.msk @!p0 [tilespmem:s0+$0x0], $0x1;
	_ =	sdelay $0x4  }
0x180: {  	(v2sf) =	vpush @!p0 v1, $0x0;
	_ =	sdelay $0xe  }
.Ltmp32:
0x181: {  	s13 =	spop @!p0 (v2sf);
	(pc) =	sbr.rel @p1 .LBB2_39-.Ltmp32, $4  }
0x182: {  	p2 =	seq.s32 @!p0 s9, s13  }
0x183: {  	p2 =	por !p2, p0  }
0x184: {  	s10 =	simm.s32 @p2 $0xFFFFFFFF  }
0x185: {  	s10 =	smov.u32 @p0 s12  }
.LBB2_40:
0x186: {  	p0 =	seq.s32 s10, $0xFFFFFFFF  }
.Ltmp33:
0x187: {  	_ = 	snop;
	(pc) =	sbr.rel @p0 .LBB2_44-.Ltmp33, $1  }
0x188: {  	_ =	sdelay $0x3  }
0x189: {  	s0 =	sshll.u32 s10, $0xB  }
0x18a: {  	s0 =	sshra.s32 s0, $0x2  }
0x18b: {  	s9 =	simm.s32 $0x0;
	v0 =	vld [tilespmem:s3+$0x0];
	s10 =	smov.u32 s3;
	s0 =	sadd.s32 $0xC838, s0  }
.LBB2_42:
0x18c: {  	s9 =	sadd.s32 $0x10, s9  }
0x18d: {  	p0 =	slt.u32 s9, $0x1F0  }
.Ltmp34:
0x18e: {  	_ = 	snop;
	(pc) =	sbr.rel @p0 .LBB2_42-.Ltmp34, $3  }
0x18f: {  	_ =	sdelay $0x1  }
0x190: {  	s10 =	sadd.s32 $0x10, s10;
	[tilespmem:s0+$0x0] =	vst.add.f32.msk $0xffff, v0;
	s0 =	sadd.s32 $0x10, s0  }
0x191: {  	v0 =	vld [tilespmem:s10+$0x0]  }
.Ltmp35:
0x192: {  	_ = 	snop;
	(pc) =	sbr.rel .LBB2_51-.Ltmp35, $2  }
0x193: {  	_ =	sdelay $0x2  }
0x194: {  	[tilespmem:s0+$0x0] =	vst.add.f32.msk $0xffff, v0  }
.LBB2_44:
0x195: {  	p0 =	sgt.u32 s9, $0x1BDC70  }
.Ltmp36:
0x196: {  	_ = 	snop;
	(pc) =	sbr.rel @p0 .LBB2_48-.Ltmp36, $1  }
0x197: {  	_ =	sdelay $0x3  }
0x198: {  	s0 =	sand.u32 $0x1FFFF8, s9;
	s11 =	sand.u32 $0x7, s9  }
0x199: {  	s29 =	sadd.s32 $0x80, s9;
	s10 =	sadd.s32 s1, s0;
	s0 =	simm.s32 $0xC608  }
0x19a: {  	[tilespmem:s0], [sflag:$0x6] =	stream.linear.gather [hbm4b:s10+s11], $0x80, $0x38;
	[tilespmem:$0x1C928] =	vst v63  }
0x19b: {  	s10 =	sand.u32 $0x3FFFF8, s29  }
0x19c: {  	s30 =	sadd.s32 $0x100, s9;
	s10 =	sadd.s32 s1, s10  }
0x19d: {  	[tilespmem:s5], [sflag:$0x6] =	stream.linear.gather [hbm4b:s10+s11], $0x80, $0x38;
	[tilespmem:$0x1C928] =	vst v63  }
0x19e: {  	s31 =	sadd.s32 $0x180, s9;
	s10 =	sand.u32 $0x3FFFF8, s30  }
0x19f: {  	s9 =	sand.u32 $0x3FFFF8, s31;
	s10 =	sadd.s32 s1, s10  }
0x1a0: {  	[tilespmem:s6], [sflag:$0x6] =	stream.linear.gather [hbm4b:s10+s11], $0x80, $0x38;
	[tilespmem:$0x1C928] =	vst v63  }
0x1a1: {  	s9 =	sadd.s32 s1, s9  }
0x1a2: {  	[tilespmem:s7], [sflag:$0x6] =	stream.linear.gather [hbm4b:s9+s11], $0x80, $0x38;
	[tilespmem:$0x1C928] =	vst v63  }
0x1a3: {  	_ =	swait.ge [sflag:s4], $0x200  }
0x1a4: {  	[sflag:s4] =	ssyncset.done $0x0  }
0x1a5: {  	[sflag:s4] =	ssyncadd.s32 $0xFFFFFE00  }
0x1a6: {  	s10 =	smov.u32 s3;
	s9 =	simm.s32 $0x0;
	v1 =	vld [tilespmem:s0+$0x0]  }
.LBB2_46:
0x1a7: {  	s9 =	sadd.s32 $0x10, s9  }
0x1a8: {  	p0 =	slt.u32 s9, $0x1F0  }
.Ltmp37:
0x1a9: {  	_ = 	snop;
	(pc) =	sbr.rel @p0 .LBB2_46-.Ltmp37, $3  }
0x1aa: {  	_ =	sdelay $0x1  }
0x1ab: {  	s0 =	sadd.s32 $0x10, s0;
	[tilespmem:s10+$0x0] =	vst.add.f32.msk $0xffff, v1;
	s10 =	sadd.s32 $0x10, s10  }
0x1ac: {  	v1 =	vld [tilespmem:s0+$0x0]  }
0x1ad: {  	_ =	sdelay $0x3  }
0x1ae: {  	[tilespmem:s10+$0x0] =	vst.add.f32.msk $0xffff, v1  }
.LBB2_48:
0x1af: {  	s0 =	sshll.u32 s2, $0xB  }
0x1b0: {  	[tilespmem:s2+$0xC818] =	vst.msk $0x1, v0;
	s0 =	sshra.s32 s0, $0x2  }
0x1b1: {  	s9 =	simm.s32 $0x0;
	s10 =	smov.u32 s3;
	v0 =	vld [tilespmem:s3+$0x0];
	s0 =	sadd.s32 $0xC838, s0  }
.LBB2_49:
0x1b2: {  	s9 =	sadd.s32 $0x10, s9  }
0x1b3: {  	p0 =	slt.u32 s9, $0x1F0  }
.Ltmp38:
0x1b4: {  	_ = 	snop;
	(pc) =	sbr.rel @p0 .LBB2_49-.Ltmp38, $3  }
0x1b5: {  	_ =	sdelay $0x1  }
0x1b6: {  	s10 =	sadd.s32 $0x10, s10;
	[tilespmem:s0+$0x0] =	vst v0;
	s0 =	sadd.s32 $0x10, s0  }
0x1b7: {  	v0 =	vld [tilespmem:s10+$0x0]  }
.Ltmp39:
0x1b8: {  	_ = 	snop;
	(pc) =	sbr.rel .LBB2_51-.Ltmp39, $2  }
0x1b9: {  	_ =	sdelay $0x2  }
0x1ba: {  	s2 =	sadd.s32 $0x1, s2;
	[tilespmem:s0+$0x0] =	vst v0  }
.LBB2_52:
0x1bb: {  	p0 =	slt.s32 s2, $0x1  }
.Ltmp40:
0x1bc: {  	_ = 	snop;
	(pc) =	sbr.rel @p0 .LBB2_56-.Ltmp40, $3  }
0x1bd: {  	_ =	sdelay $0x1  }
0x1be: {  	s0 =	simm.s32 $0x6  }
0x1bf: {  	s3 =	simm.s32 $0x0;
	[sflag:s0] =	ssyncpa.u1 $0x1  }
0x1c0: {  	s0 =	simm.s32 $0xC818  }
0x1c1: {  	v0 =	vld.msk [tilespmem:s0+$0x0], $0x1;
	_ =	sdelay $0x4  }
0x1c2: {  	(v2sf) =	vpush v0, $0x0;
	_ =	sdelay $0xe  }
0x1c3: {  	s7 =	spop (v2sf)  }
0x1c4: {  	s4 =	simm.s32 $0xC838;
	p0 =	sgt.u32 s7, $0x1BDC70  }
0x1c5: {  	s2 =	sadd.s32 $0xFFFFFFFF, s2;
	s0 =	sand.u32 @!p0 $0x1FFFF8, s7;
	s5 =	sadd.s32 @!p0 $0x80, s7  }
0x1c6: {  	s9 =	sadd.s32 @!p0 s1, s0;
	s0 =	sand.u32 @!p0 $0x7, s7;
	s5 =	sand.u32 @!p0 $0x3FFFF8, s5  }
0x1c7: {  	[hbm4b:s9+s0] =	stream.linear.scatter @!p0 [tilespmem:s4], [sflag:$0x5], $0x80, $0x38;
	[tilespmem:$0x1C928] =	vst v63  }
0x1c8: {  	p1 =	sne.s32 s2, $0x0;
	s4 =	simm.s32 @!p0 $0xC8B8;
	s5 =	sadd.s32 @!p0 s1, s5  }
0x1c9: {  	[hbm4b:s5+s0] =	stream.linear.scatter @!p0 [tilespmem:s4], [sflag:$0x5], $0x80, $0x38;
	[tilespmem:$0x1C928] =	vst v63  }
.Ltmp41:
0x1ca: {  	s6 =	simm.s32 $0x0;
	s8 =	sadd.s32 @!p0 $0x100, s7;
	(pc) =	sbr.rel @!p1 .LBB2_55-.Ltmp41, $4  }
0x1cb: {  	s6 =	simm.s32 @!p0 $0x800;
	s8 =	sand.u32 @!p0 $0x3FFFF8, s8;
	s4 =	simm.s32 @!p0 $0xC938  }
0x1cc: {  	s5 =	sadd.s32 @!p0 s1, s8;
	s8 =	sadd.s32 @!p0 $0x180, s7;
	s7 =	simm.s32 @!p0 $0xC9B8  }
0x1cd: {  	[hbm4b:s5+s0] =	stream.linear.scatter @!p0 [tilespmem:s4], [sflag:$0x5], $0x80, $0x38;
	[tilespmem:$0x1C928] =	vst v63  }
0x1ce: {  	s8 =	sand.u32 @!p0 $0x3FFFF8, s8;
	s4 =	simm.s32 $0xC819;
	s5 =	simm.s32 $0xCA38  }
.LBB2_54:
0x1cf: {  	s2 =	sadd.s32 $0xFFFFFFFF, s2;
	s8 =	sadd.s32 @!p0 s1, s8;
	s3 =	sadd.s32 s3, s6  }
0x1d0: {  	[hbm4b:s8+s0] =	stream.linear.scatter @!p0 [tilespmem:s7], [sflag:$0x5], $0x80, $0x38;
	[tilespmem:$0x1C928] =	vst v63  }
0x1d1: {  	p1 =	sne.s32 s2, $0x0;
	s7 =	smov.u32 s5;
	v0 =	vld.msk [tilespmem:s4+$0x0], $0x1;
	_ =	sdelay $0x4  }
0x1d2: {  	(v2sf) =	vpush v0, $0x0;
	_ =	sdelay $0xe  }
0x1d3: {  	s6 =	spop (v2sf)  }
0x1d4: {  	s5 =	sadd.s32 $0x200, s5;
	s4 =	sadd.s32 $0x1, s4;
	p0 =	sgt.u32 s6, $0x1BDC70  }
0x1d5: {  	s0 =	sand.u32 @!p0 $0x1FFFF8, s6;
	s8 =	sadd.s32 @!p0 $0x80, s6;
	s9 =	sadd.s32 @!p0 $0x100, s6  }
0x1d6: {  	s10 =	sadd.s32 @!p0 s1, s0;
	s0 =	sand.u32 @!p0 $0x7, s6;
	s8 =	sand.u32 @!p0 $0x3FFFF8, s8  }
0x1d7: {  	[hbm4b:s10+s0] =	stream.linear.scatter @!p0 [tilespmem:s7], [sflag:$0x5], $0x80, $0x38;
	[tilespmem:$0x1C928] =	vst v63  }
0x1d8: {  	s9 =	sand.u32 @!p0 $0x3FFFF8, s9;
	s10 =	sadd.s32 @!p0 $0x80, s7  }
.Ltmp42:
0x1d9: {  	s8 =	sadd.s32 @!p0 s1, s8;
	s9 =	sadd.s32 @!p0 s1, s9;
	(pc) =	sbr.rel @p1 .LBB2_54-.Ltmp42, $4  }
0x1da: {  	[hbm4b:s8+s0] =	stream.linear.scatter @!p0 [tilespmem:s10], [sflag:$0x5], $0x80, $0x38;
	[tilespmem:$0x1C928] =	vst v63  }
0x1db: {  	s8 =	sadd.s32 @!p0 $0x100, s7;
	s10 =	sadd.s32 @!p0 $0x180, s6;
	s6 =	simm.s32 $0x0  }
0x1dc: {  	[hbm4b:s9+s0] =	stream.linear.scatter @!p0 [tilespmem:s8], [sflag:$0x5], $0x80, $0x38;
	[tilespmem:$0x1C928] =	vst v63  }
0x1dd: {  	s7 =	sadd.s32 @!p0 $0x180, s7;
	s6 =	simm.s32 @!p0 $0x800;
	s8 =	sand.u32 @!p0 $0x3FFFF8, s10  }
.LBB2_55:
0x1de: {  	s1 =	sadd.s32 @!p0 s1, s8;
	s31 =	sadd.s32 s3, s6  }
0x1df: {  	[hbm4b:s1+s0] =	stream.linear.scatter @!p0 [tilespmem:s7], [sflag:$0x5], $0x80, $0x38;
	[tilespmem:$0x1C928] =	vst v63  }
0x1e0: {  	s3 =	sshrl.u32 s31, $0x2  }
.LBB2_56:
0x1e1: {  	s0 =	simm.s32 $0x5  }
0x1e2: {  	_ =	swait.ge [sflag:s0], s3  }
0x1e3: {  	s1 =	ssub.s32 $0x0, s3;
	[sflag:s0] =	ssyncset.done $0x0  }
0x1e4: {  	[sflag:s0] =	ssyncadd.s32 s1  }
0x1e5: {  	[sflag:s0] =	ssyncpa.u1 $0x1  }
0x1e6: {  	s30 =	simm.s32 $0x1;
	_ =	sfence  }
0x1e7: {  	[sflag:s30] =	ssyncpa.u1 $0x1  }
0x1e8: {  	_ =	strace $0x9000004D  }
0x1e9: {  	[bflag:$0x2] =	sbarrier.arrive $0xFFFF  }
0x1ea: {  	s31 =	rddreg [dreg:$0x1]  }
0x1eb: {  	s0 =	sadd.s32 $0x100000, s31  }
0x1ec: {  	[sflag:s0] =	ssyncadd.tile.s32 $0x1;
	_ =	shalt  }
.Lfunc_end2:
_tile_overlayer_lowered:
.L_overlay_start_2:
0x1ed: {  	(tag) =	ssettag $0x2  }
0x1ee: {  	s0 =	rddreg [dreg:$0x0];
	s2 =	stileid.u32  }
0x1ef: {  	s1 =	rddreg [dreg:$0x1];
	p0 =	sne.s32 s2, $0x0  }
0x1f0: {  	s3 =	rddreg [dreg:$0x2];
	[bflag:$0x3] =	sbarrier.arrive $0xFFFF;
	s2 =	simm.s32 @!p0 $0x1C01  }
0x1f1: {  	[timem:s3], [sflag:s2] =	dma.local @!p0 [hbm:s0], s1  }
0x1f2: {  	s0 =	simm.s32 @!p0 $0x1  }
0x1f3: {  	_ =	swait.ge @!p0 [sflag:s0], s1  }
0x1f4: {  	s1 =	ssub.s32 @!p0 $0x0, s1;
	[sflag:s0] =	ssyncset.done @!p0 $0x0  }
0x1f5: {  	[sflag:s0] =	ssyncadd.s32 @!p0 s1  }
0x1f6: {  	[bflag:$0x3] =	sbarrier.arrive $0xFFFF  }
0x1f7: {  	_ =	shalt  }

// kernel: scatter_offload_async_start
scs
__scs_entry_jumppad:
0x0: {  	(pc) =	sbr.rel $0x88, $3  }
0x1: {  	(tag) =	ssettag $0x0;
	lr =	simm.s32 $0x1  }
0x2: {  	[smem:$0x3F95] =	sst lr;
	_ =	strace $0xD0000000  }
0x3: {  	_ = 	snop  }
0x4: {  	_ = 	snop  }
0x5: {  	_ = 	snop  }
0x6: {  	_ = 	snop  }
0x7: {  	_ = 	snop  }
__scs_overlays_trampoline_lowered:
0x8: {  	[smem:$0x3FA4] =	sst s0  }
0x9: {  	[smem:$0x3FA5] =	sst s1  }
0xa: {  	[smem:$0x3FA6] =	sst s2  }
0xb: {  	[smem:$0x3FA7] =	sst s3  }
0xc: {  	[smem:$0x3FA8] =	sst s4  }
0xd: {  	[smem:$0x3FA9] =	sst s5  }
0xe: {  	[smem:$0x3FAA] =	sst s6  }
0xf: {  	[smem:$0x3FAB] =	sst s7  }
0x10: {  	[smem:$0x3FAC] =	sst s8  }
0x11: {  	[smem:$0x3FAD] =	sst s9;
	s0 =	simm.s32 @!p0 $0x0  }
0x12: {  	s1 =	sld [smem:$0x3F93];
	s0 =	simm.s32 @p0 $0x1  }
0x13: {  	[smem:$0x3FAE] =	sst s0;
	s0 =	simm.s32 @!p1 $0x0  }
0x14: {  	s2 =	sld [smem:$0x3F92];
	s0 =	simm.s32 @p1 $0x1  }
0x15: {  	[smem:$0x3FAF] =	sst s0;
	s0 =	simm.s32 @!p2 $0x0  }
0x16: {  	s3 =	sld [smem:$0x3FDB];
	s0 =	simm.s32 @p2 $0x1  }
0x17: {  	s4 =	simm.s32 $0x1BF5;
	[smem:$0x3FB1] =	sst s0  }
0x18: {  	s0 =	sld [smem:$0x3F94];
	_ =	swait.ge [sflag:s4], $0x0  }
0x19: {  	s7 =	sld [smem:$0x3F95]  }
0x1a: {  	s8 =	sadd.s32 $0xFFFFE003, lr  }
0x1b: {  	s9 =	sadd.s32 $0xFFFFFEF7, lr;
	s5 =	simm.s32 $0xFFFFFFFF;
	p2 =	slt.u32 s8, $0xFFFFF086  }
0x1c: {  	p1 =	slt.u32 s9, $0xF7A;
	s5 =	simm.s32 @!p2 $0x0  }
0x1d: {  	s5 =	simm.s32 @p1 $0x1;
	p0 =	seq.s32 s7, s2  }
0x1e: {  	s7 =	smul.u32 @!p0 $0xF7A, s2;
	p2 =	seq.s32 @!p0 s5, $0x0  }
0x1f: {  	s9 =	smul.u32 $0xF7A, s1;
	s8 =	simm.s32 @!p0 $0x1BF5;
	p2 =	por !p2, p0  }
0x20: {  	[sflag:s8] =	ssyncset.s32 @!p0 $0xFFFFF086;
	s6 =	sadd.s32 @!p0 s3, s7;
	s7 =	simm.s32 @!p0 $0x108  }
0x21: {  	s3 =	sadd.s32 s3, s9;
	s6 =	sadd.s32 @!p0 $0x88, s6;
	s7 =	simm.s32 @p2 $0x1082  }
0x22: {  	[simem:s7], [sflag:s8] =	dma.local @!p0 [hbm:s6], $0xF7A  }
0x23: {  	s9 =	sor.u32 $0xD0000000, s2;
	s6 =	simm.s32 $0x108;
	_ =	swait.ge @!p0 [sflag:s8], $0x0  }
0x24: {  	s3 =	sadd.s32 $0x88, s3;
	s6 =	simm.s32 @!p1 $0x1082;
	[sflag:s4] =	ssyncset.s32 $0xFFFFF086  }
0x25: {  	[simem:s6], [sflag:s4] =	dma.local [hbm:s3], $0xF7A  }
0x26: {  	[smem:$0x3F95] =	sst s1;
	(tag) =	ssettag s2;
	_ =	strace s9  }
0x27: {  	s1 =	sld [smem:$0x3FA5]  }
0x28: {  	s2 =	sld [smem:$0x3FA6]  }
0x29: {  	s4 =	sld [smem:$0x3FA8]  }
0x2a: {  	p0 =	seq.s32 s5, $0x0;
	s5 =	sld [smem:$0x3FA9]  }
0x2b: {  	s6 =	sld [smem:$0x3FAA]  }
0x2c: {  	s7 =	sld [smem:$0x3FAB]  }
0x2d: {  	s3 =	simm.s32 $0x108;
	s8 =	sld [smem:$0x3FAC]  }
0x2e: {  	s3 =	simm.s32 @!p0 $0x1082;
	s9 =	sld [smem:$0x3FAD]  }
0x2f: {  	lr =	sadd.s32 s0, s3;
	s0 =	sld [smem:$0x3FA4]  }
0x30: {  	s3 =	sld [smem:$0x3FA7]  }
0x31: {  	[smem:$0x3FB0] =	sst s10  }
0x32: {  	s10 =	sld [smem:$0x3FAE];
	_ =	sdelay $0x3  }
0x33: {  	p0 =	seq.s32 s10, $0x1;
	s10 =	sld [smem:$0x3FB0];
	_ =	sdelay $0x3  }
0x34: {  	[smem:$0x3FB0] =	sst s10  }
0x35: {  	s10 =	sld [smem:$0x3FAF];
	_ =	sdelay $0x3  }
0x36: {  	p1 =	seq.s32 s10, $0x1;
	s10 =	sld [smem:$0x3FB0];
	_ =	sdelay $0x3  }
0x37: {  	[smem:$0x3FB0] =	sst s10  }
0x38: {  	s10 =	sld [smem:$0x3FB1]  }
0x39: {  	_ = 	snop;
	(pc) =	sbr.ind lr, $3  }
0x3a: {  	_ = 	snop  }
0x3b: {  	_ = 	snop  }
0x3c: {  	p2 =	seq.s32 s10, $0x1;
	s10 =	sld [smem:$0x3FB0]  }
0x3d: {  	_ =	shalt  }
0x3e: {  	_ =	shalt  }
0x3f: {  	_ =	shalt  }
0x40: {  	_ =	shalt  }
0x41: {  	_ =	shalt  }
0x42: {  	_ =	shalt  }
0x43: {  	_ =	shalt  }
0x44: {  	_ =	shalt  }
0x45: {  	_ =	shalt  }
0x46: {  	_ =	shalt  }
0x47: {  	_ =	shalt  }
0x48: {  	_ =	shalt  }
0x49: {  	_ =	shalt  }
0x4a: {  	_ =	shalt  }
0x4b: {  	_ =	shalt  }
0x4c: {  	_ =	shalt  }
0x4d: {  	_ =	shalt  }
0x4e: {  	_ =	shalt  }
0x4f: {  	_ =	shalt  }
0x50: {  	_ =	shalt  }
0x51: {  	_ =	shalt  }
0x52: {  	_ =	shalt  }
0x53: {  	_ =	shalt  }
0x54: {  	_ =	shalt  }
0x55: {  	_ =	shalt  }
0x56: {  	_ =	shalt  }
0x57: {  	_ =	shalt  }
0x58: {  	_ =	shalt  }
0x59: {  	_ =	shalt  }
0x5a: {  	_ =	shalt  }
0x5b: {  	_ =	shalt  }
0x5c: {  	_ =	shalt  }
0x5d: {  	_ =	shalt  }
0x5e: {  	_ =	shalt  }
0x5f: {  	_ =	shalt  }
0x60: {  	_ =	shalt  }
0x61: {  	_ =	shalt  }
0x62: {  	_ =	shalt  }
0x63: {  	_ =	shalt  }
0x64: {  	_ =	shalt  }
0x65: {  	_ =	shalt  }
0x66: {  	_ =	shalt  }
0x67: {  	_ =	shalt  }
0x68: {  	_ =	shalt  }
0x69: {  	_ =	shalt  }
0x6a: {  	_ =	shalt  }
0x6b: {  	_ =	shalt  }
0x6c: {  	_ =	shalt  }
0x6d: {  	_ =	shalt  }
0x6e: {  	_ =	shalt  }
0x6f: {  	_ =	shalt  }
0x70: {  	_ =	shalt  }
0x71: {  	_ =	shalt  }
0x72: {  	_ =	shalt  }
0x73: {  	_ =	shalt  }
0x74: {  	_ =	shalt  }
0x75: {  	_ =	shalt  }
0x76: {  	_ =	shalt  }
0x77: {  	_ =	shalt  }
0x78: {  	_ =	shalt  }
0x79: {  	_ =	shalt  }
0x7a: {  	_ =	shalt  }
0x7b: {  	_ =	shalt  }
0x7c: {  	_ =	shalt  }
0x7d: {  	_ =	shalt  }
0x7e: {  	_ =	shalt  }
0x7f: {  	_ =	shalt  }
0x80: {  	_ =	shalt  }
0x81: {  	_ =	shalt  }
0x82: {  	_ =	shalt  }
0x83: {  	_ =	shalt  }
0x84: {  	_ =	shalt  }
0x85: {  	_ =	shalt  }
0x86: {  	_ =	shalt  }
0x87: {  	_ =	shalt  }
.Lfunc_end0:
.L_simem_size_0:
called_computation_lowered:
.L_overlay_start_0:
0x88: {  	s0 =	sld [smem:$0x3FD9]  }
0x89: {  	s1 =	sld [smem:$0x3FFE];
	_ =	sdelay $0x3  }
0x8a: {  	s0 =	sadd.s32 s1, s0  }
0x8b: {  	[smem:$0x3FBC] =	sst s0  }
0x8c: {  	_ = 	snop  }
0x8d: {  	(tm) =	ssettm $0x1  }
0x8e: {  	s15 =	sld [smem:$0x3FFB];
	_ =	sdelay $0x3  }
0x8f: {  	_ =	strace s15  }
0x90: {  	s0 =	sld [smem:$0x3FFC];
	_ =	sdelay $0x3  }
0x91: {  	_ =	strace s0  }
0x92: {  	s0 =	sld [smem:$0x3FFD];
	_ =	sdelay $0x3  }
0x93: {  	_ =	strace s0  }
0x94: {  	_ =	strace $0x8FFFFFFF  }
0x95: {  	s16 =	sld [smem:$0x3FDB];
	_ =	sdelay $0x1  }
0x96: {  	s17 =	simm.s32 $_scs_section_size  }
0x97: {  	s2 =	simm.s32 $_size__tile_overlayer_lowered;
	s3 =	simm.s32 $_tile_overlayer_lowered  }
0x98: {  	s20 =	simm.s32 $0x1BFF;
	s19 =	sshll.u32 s3, $0x1;
	s0 =	sadd.s32 s17, s16  }
0x99: {  	s4 =	simm.s32 $0x0;
	s18 =	sshll.u32 s2, $0x1;
	s2 =	sadd.s32 s19, s0  }
0x9a: {  	[timem:s4], [sflag:s20] =	dma.local [hbm:s2], s18  }
0x9b: {  	_ =	swait.ge [sflag:s20], s18  }
0x9c: {  	s1 =	ssub.s32 $0x0, s18;
	[sflag:s20] =	ssyncset.done $0x0  }
0x9d: {  	[sflag:s20] =	ssyncadd.s32 s1;
	_ =	sdelay $0x1  }
0x9e: {  	s21 =	simm.s32 $0x1B8B  }
0x9f: {  	_ =	swait.ge [sflag:s21], $0x1  }
0xa0: {  	[sflag:s21] =	ssyncset.done $0x0  }
0xa1: {  	s23 =	simm.s32 $0x1B8E;
	s22 =	sld [smem:$0x3FFE];
	[sflag:s21] =	ssyncadd.s32 $0xFFFFFFFF  }
0xa2: {  	s24 =	simm.s32 $execute0_lowered;
	[smem:$0x3FD2] =	sst s23  }
0xa3: {  	s2 =	sshll.u32 s24, $0x1;
	_ =	strace $0x80000049;
	[dreg:$0x1] =	wrdreg $0xFFFFFFFF  }
0xa4: {  	s25 =	simm.s32 $_size_execute0_lowered;
	s0 =	sadd.s32 s0, s2;
	[dreg:$0x0] =	wrdreg $0x0  }
0xa5: {  	s2 =	sshll.u32 s25, $0x1;
	[dreg:$0x2] =	wrdreg s0  }
0xa6: {  	[dreg:$0x3] =	wrdreg s2  }
0xa7: {  	[dreg:$0x4] =	wrdreg $0xC0  }
0xa8: {  	_ =	task [dreg:s4], $0x5FFFF  }
0xa9: {  	[dreg:$0x1] =	wrdreg $0xFFFFFFFF  }
0xaa: {  	[dreg:$0x0] =	wrdreg $0x60  }
0xab: {  	[dreg:$0x2] =	wrdreg s22  }
0xac: {  	[dreg:$0x3] =	wrdreg $0x9  }
0xad: {  	_ =	task.clear_ibuf [dreg:s4], $0x4FFFF;
	_ =	strace $0x90000049  }
0xae: {  	s26 =	simm.s32 $0x9;
	_ =	strace $0x8000004B  }
0xaf: {  	_ =	swait.ge [sflag:s26], $0x1  }
0xb0: {  	[sflag:s26] =	ssyncadd.s32 $0xFFFFFFFF  }
0xb1: {  	_ =	strace $0x9000004B  }
0xb2: {  	_ =	sfence  }
0xb3: {  	s28 =	sld [smem:$0x0];
	_ =	sdelay $0x1  }
0xb4: {  	s29 =	srdreg.scid  }
0xb5: {  	s30 =	sshll.u32 s29, $0xD;
	s31 =	sshrl.u32 s29, $0x2  }
0xb6: {  	s1 =	sand.u32 $0x1, s29;
	s2 =	sand.u32 $0x4000, s30;
	s0 =	sadd.s32 s31, s28  }
0xb7: {  	s1 =	sor.u32 s2, s1;
	s0 =	sshll.u32 s0, $0x11  }
0xb8: {  	s0 =	sor.u32 s0, s1  }
0xb9: {  	s0 =	sadd.s32 $0x8F2B, s0  }
0xba: {  	[sflag:s0] =	ssyncadd.remote.s32 $0x1  }
0xbb: {  	_ =	sfence.sel $0xFFFF  }
0xbc: {  	[dreg:$0x0] =	wrdreg $0xFFFFFFFF;
	(pc) =	sbr.abs _section_cstart, $3  }
0xbd: {  	[dreg:$0x1] =	wrdreg $0xFFFFFFFF  }
0xbe: {  	_ =	task.clear_ibuf [dreg:s4], $0x2FFFF;
	_ =	strace $0x9FFFFFFF  }
0xbf: {  	(tm) =	ssettm $0x7FFFFFFF  }
tec
execute0_lowered:
.L_overlay_start_1:
0x0: {  	(tag) =	ssettag $0x1  }
0x1: {  	s2 =	rddreg [dreg:$0x0];
	_ =	strace $0x8000004A;
	s0 =	simm.s32 $0x1  }
0x2: {  	v0 =	vimm.s32 $0x0;
	[sflag:s0] =	ssyncpa.u1 $0x0;
	s0 =	simm.s32 $0x288  }
0x3: {  	[tilespmem:s0+$0x30] =	vst v0  }
0x4: {  	s1 =	sadd.s32 $0xA00, s2;
	s5 =	sadd.s32 $0x162600, s2;
	[tilespmem:s0+$0x20] =	vst v0  }
0x5: {  	s4 =	sadd.s32 $0xA80600, s2;
	s10 =	sadd.s32 $0x168800, s2;
	s2 =	simm.s32 $0x40;
	[tilespmem:s0+$0x10] =	vst v0  }
.LBB2_1:
0x6: {  	s2 =	sadd.s32 $0x40, s2  }
0x7: {  	[tilespmem:s0+$0x0] =	vst v0;
	s0 =	sadd.s32 $0x40, s0;
	p0 =	slt.u32 s2, $0x6540  }
.Ltmp0:
0x8: {  	(pc) =	sbr.rel @p0 .LBB2_1-.Ltmp0, $4  }
0x9: {  	_ = 	snop  }
0xa: {  	[tilespmem:s0+$0x30] =	vst v0  }
0xb: {  	[tilespmem:s0+$0x20] =	vst v0  }
0xc: {  	[tilespmem:s0+$0x10] =	vst v0  }
0xd: {  	s3 =	stileid.u32  }
0xe: {  	s2 =	smul.u32 $0x9A, s3  }
0xf: {  	s6 =	smin.u32 s3, $0x6  }
0x10: {  	s2 =	sadd.s32 s6, s2  }
0x11: {  	p0 =	slt.u32 s3, $0x6;
	s6 =	smul.u32 $0x50, s2;
	s2 =	simm.s32 $0x3070  }
0x12: {  	s2 =	simm.s32 @!p0 $0x3020  }
0x13: {  	s2 =	sadd.s32 s2, s6  }
0x14: {  	s7 =	smin.u32 s2, $0x303D1  }
0x15: {  	s2 =	ssub.s32 s7, s6  }
0x16: {  	p0 =	sgt.s32 s2, $0x0  }
0x17: {  	s8 =	simm.s32 $0x2;
	s2 =	simm.s32 @!p0 $0x0  }
0x18: {  	s29 =	simm.s32 $0x7;
	s30 =	simm.s32 $0x8;
	s28 =	smulhi.u32 $0x66666667, s2  }
0x19: {  	s11 =	simm.s32 $0x9;
	s21 =	simm.s32 $0x0;
	p1 =	por $0x0, $0x0  }
0x1a: {  	[tilespmem:s0+$0x0] =	vst v0;
	s15 =	simm.s32 $0x80;
	s16 =	simm.s32 $0x400;
	s0 =	sshrl.u32 s28, $0x5  }
0x1b: {  	v0 =	vimm.s32 $0xFFFFFFFF;
	s17 =	simm.s32 $0xA;
	[sflag:s8] =	ssyncpa.u1 $0x0;
	s9 =	smul.u32 $0x50, s0  }
0x1c: {  	s18 =	simm.s32 $0x0;
	s31 =	smul.u32 $0xA00, s3;
	[tilespmem:$0xCD08] =	vst v0;
	[sflag:s29] =	ssyncpa.u1 $0x0  }
.Ltmp1:
0x1d: {  	p0 =	sne.s32 s2, s9;
	s2 =	simm.s32 $0x1;
	(pc) =	sbr.rel .LBB2_3-.Ltmp1, $4  }
0x1e: {  	s20 =	simm.s32 $0x0;
	[sflag:s30] =	ssyncpa.u1 $0x0;
	s2 =	simm.s32 @!p0 $0x0  }
0x1f: {  	s13 =	sshrl.u32 s31, $0x2;
	[sflag:s11] =	ssyncpa.u1 $0x0;
	s12 =	sadd.s32 s2, s0  }
0x20: {  	s11 =	simm.s32 $0x1;
	[dreg:$0x2] =	wrdreg s13;
	s14 =	sadd.s32 $0x1, s12  }
0x21: {  	v0 =	vlaneseq.u32;
	s19 =	smov.u32 s6;
	p0 =	por $0x1, $0x1;
	[dreg:$0x3] =	wrdreg s14  }
.LBB2_24:
0x22: {  	s0 =	sshrl.u32 s30, $0x2  }
.LBB2_26:
0x23: {  	_ =	swait.ge [sflag:s17], s0  }
0x24: {  	s31 =	ssub.s32 $0x0, s0;
	v1 =	vmov s23;
	vm0 =	veq.s32 v0, $0x0;
	[sflag:s17] =	ssyncset.done $0x0  }
0x25: {  	vm15 =	veq.s32 v0, $0x2;
	v1 =	vsel vm0, s29, v1;
	[sflag:s17] =	ssyncadd.s32 s31  }
0x26: {  	v1 =	vsel vm15, s21, v1;
	[sflag:s17] =	ssyncpa.u1 $0x1  }
0x27: {  	[tilespmem:$0xCD08] =	vst v1  }
.LBB2_27:
0x28: {  	s0 =	sadd.s32 $0x50, s19  }
0x29: {  	s2 =	smov.u32 s6;
	p2 =	slt.s32 s0, s7  }
0x2a: {  	s2 =	smov.u32 @p2 s0;
	p2 =	sne.s32 s20, s14  }
.Ltmp2:
0x2b: {  	_ = 	snop;
	(pc) =	sbr.rel @!p2 .LBB2_28-.Ltmp2, $4  }
0x2c: {  	_ = 	snop  }
0x2d: {  	s21 =	smov.u32 s18  }
0x2e: {  	s31 =	sadd.s32 $0x1, s20;
	s18 =	smov.u32 s19;
	p0 =	por !p0, !p0  }
0x2f: {  	p1 =	por !p1, !p1;
	s20 =	smov.u32 s31;
	s19 =	smov.u32 s2  }
.LBB2_3:
0x30: {  	p2 =	sge.u32 s20, s12  }
0x31: {  	s0 =	smulhi.u32 @!p2 $0xAAAAAAAB, s20  }
0x32: {  	s2 =	smov.u32 s19;
	p3 =	sgt.s32 @!p2 s19, $0x30381  }
0x33: {  	s8 =	sshra.s32 @!p2 s19, $0x1F;
	p3 =	por !p3, p2;
	s0 =	sshrl.u32 @!p2 s0, $0x1  }
0x34: {  	s8 =	sand.u32 @!p2 s8, s19;
	s2 =	simm.s32 @p3 $0x30381;
	s0 =	smul.u32 @!p2 $0x3, s0  }
0x35: {  	s2 =	ssub.s32 @!p2 s2, s8  }
0x36: {  	s2 =	sadd.s32 @!p2 $0xFFFCFC7F, s2;
	s0 =	ssub.s32 @!p2 s20, s0  }
0x37: {  	s8 =	sshll.u32 @!p2 s2, $0x2;
	p3 =	sgt.s32 @!p2 s2, $0x4F;
	s0 =	smul.u32 @!p2 $0x140, s0  }
0x38: {  	s9 =	sand.u32 @!p2 $0x7, s19;
	s2 =	ssub.s32 @!p2 $0x140, s8;
	p3 =	por !p3, p2  }
0x39: {  	s8 =	sshrl.u32 @!p2 s19, $0x3;
	s2 =	sshrl.u32 @!p2 s2, $0x2;
	s0 =	sshrl.u32 @!p2 s0, $0x2  }
0x3a: {  	s8 =	sadd.s32 @!p2 s10, s8;
	s2 =	simm.s32 @!p3 $0x0;
	s0 =	sadd.s32 @!p2 $0xF538, s0  }
0x3b: {  	[tilespmem:s0], [sflag:$0x8] =	stream.linear.gather @!p2 [hbm4b:s8+s9], s2, $0x38;
	[tilespmem:$0x1E6C8] =	vst v63  }
0x3c: {  	s0 =	sadd.s32 $0xFFFFFFFF, s20  }
0x3d: {  	p2 =	sge.u32 s0, s12  }
0x3e: {  	p3 =	sgt.s32 @!p2 s18, $0x30381  }
0x3f: {  	s2 =	smov.u32 s18;
	s8 =	sshra.s32 @!p2 s18, $0x1F;
	p3 =	por !p3, p2  }
0x40: {  	s8 =	sand.u32 @!p2 s8, s18;
	s2 =	simm.s32 @p3 $0x30381  }
0x41: {  	s2 =	ssub.s32 @!p2 s2, s8  }
0x42: {  	s2 =	sadd.s32 @!p2 $0xFFFCFC7F, s2  }
0x43: {  	s8 =	sshll.u32 @!p2 s2, $0x2  }
0x44: {  	p3 =	sgt.s32 @!p2 s2, $0x4F;
	s2 =	ssub.s32 @!p2 $0x140, s8  }
0x45: {  	p3 =	por !p3, p2;
	s2 =	sshrl.u32 @!p2 s2, $0x2  }
0x46: {  	s9 =	simm.s32 @!p2 $0x8;
	s8 =	sand.u32 @!p2 $0x1, s0;
	s2 =	simm.s32 @!p3 $0x0  }
0x47: {  	s8 =	smul.u32 @!p2 $0x140, s8;
	_ =	swait.ge @!p2 [sflag:s9], s2  }
0x48: {  	s22 =	ssub.s32 @!p2 $0x0, s2;
	[sflag:s9] =	ssyncset.done @!p2 $0x0  }
0x49: {  	s8 =	sshrl.u32 @!p2 s8, $0x2;
	[sflag:s9] =	ssyncadd.s32 @!p2 s22;
	s9 =	sshrl.u32 @!p2 s18, $0x3  }
0x4a: {  	s8 =	sadd.s32 @!p2 $0xF628, s8;
	s22 =	sand.u32 @!p2 $0x7, s18;
	s9 =	sadd.s32 @!p2 s5, s9  }
0x4b: {  	[tilespmem:s8], [sflag:$0x9] =	stream.linear.gather @!p2 [hbm4b:s9+s22], s2, $0x38;
	[tilespmem:$0x1E6C8] =	vst v63  }
0x4c: {  	s22 =	ssub.s32 @!p2 $0x303D1, s18  }
0x4d: {  	p3 =	slt.s32 @!p2 s22, $0x1  }
0x4e: {  	p3 =	por p2, p3  }
.Ltmp3:
0x4f: {  	_ = 	snop;
	(pc) =	sbr.rel @p3 .LBB2_9-.Ltmp3, $1  }
0x50: {  	_ =	sdelay $0x3  }
0x51: {  	s2 =	smulhi.u32 $0xAAAAAAAB, s0;
	_ =	sdelay $0x1  }
0x52: {  	s2 =	sshrl.u32 s2, $0x1  }
0x53: {  	s2 =	smul.u32 $0x3, s2;
	_ =	sdelay $0x1  }
0x54: {  	s29 =	ssub.s32 s0, s2  }
0x55: {  	s8 =	simm.s32 $0x1;
	s0 =	smul.u32 $0x140, s29  }
.Ltmp4:
0x56: {  	s8 =	simm.s32 @!p0 $0x0;
	(pc) =	sbr.rel .LBB2_6-.Ltmp4, $4  }
0x57: {  	s30 =	smul.u32 $0x1E000, s8  }
0x58: {  	p3 =	slt.s32 @!p2 s22, $0x50;
	s0 =	sshrl.u32 s0, $0x2  }
0x59: {  	p2 =	por !p3, p2;
	s2 =	sshrl.u32 s30, $0x2;
	s31 =	sadd.s32 $0xF538, s0  }
0x5a: {  	s23 =	simm.s32 $0x0;
	s22 =	simm.s32 @p2 $0x50;
	s0 =	sadd.s32 $0xF6C8, s2;
	v1 =	vmov s31  }
.LBB2_5:
0x5b: {  	p2 =	sge.s32 s23, s22  }
.Ltmp5:
0x5c: {  	_ = 	snop;
	(pc) =	sbr.rel @p2 .LBB2_9-.Ltmp5, $2  }
0x5d: {  	_ =	sdelay $0x2  }
0x5e: {  	s0 =	sadd.s32 $0x1800, s0  }
.LBB2_6:
0x5f: {  	p2 =	sle.s32 s22, s23  }
.Ltmp6:
0x60: {  	_ = 	snop;
	(pc) =	sbr.rel @p2 .LBB2_5-.Ltmp6, $2  }
0x61: {  	_ =	sdelay $0x2  }
0x62: {  	s2 =	smov.u32 s23;
	s23 =	sadd.s32 $0x10, s23  }
0x63: {  	s8 =	ssub.s32 s22, s2  }
0x64: {  	p2 =	slt.s32 s8, $0x10  }
0x65: {  	s8 =	simm.s32 @!p2 $0x10  }
0x66: {  	v2 =	vmov s8  }
0x67: {  	vm0 =	vgt.s32 v2, v0;
	_ =	sdelay $0x5  }
0x68: {  	v2 =	vld.idx.msk [tilespmem:v1+s2+$0x0 ss:$0x1], vm0;
	_ =	sdelay $0x2  }
0x69: {  	s24 =	smov.u32 s22;
	p2 =	slt.s32 s23, s22  }
0x6a: {  	s25 =	smov.u32 s0;
	s24 =	smov.u32 @p2 s23;
	s8 =	simm.s32 $0x0  }
.LBB2_8:
0x6b: {  	(v2sf) =	vpush v2, s8;
	_ =	sdelay $0xe  }
0x6c: {  	s9 =	spop (v2sf)  }
0x6d: {  	s8 =	sadd.s32 $0x1, s8;
	s26 =	sshrl.u32 s9, $0x3  }
0x6e: {  	s31 =	sadd.s32 s8, s2;
	s9 =	sshll.u32 s9, $0x7;
	s26 =	smul.u32 $0xC00, s26  }
0x6f: {  	p2 =	slt.s32 s31, s24;
	s9 =	sand.u32 $0x380, s9  }
.Ltmp7:
0x70: {  	s9 =	sor.u32 s9, s26;
	(pc) =	sbr.rel @p2 .LBB2_8-.Ltmp7, $4  }
0x71: {  	s9 =	sshrl.u32 s9, $0x3  }
0x72: {  	s9 =	sadd.s32 s4, s9  }
0x73: {  	[tilespmem:s25], [sflag:$0x7] =	stream.strided.gather [hbm4b:s9+s15], $0x180, s16, s15, $0x38;
	[tilespmem:$0x1E6C8] =	vst v63  }
0x74: {  	s25 =	sadd.s32 $0x180, s25  }
.Ltmp8:
0x75: {  	_ = 	snop;
	(pc) =	sbr.rel .LBB2_5-.Ltmp8, $1  }
0x76: {  	_ =	sdelay $0x3  }
.LBB2_9:
0x77: {  	p2 =	slt.u32 s20, $0x2  }
.Ltmp9:
0x78: {  	_ = 	snop;
	(pc) =	sbr.rel @p2 .LBB2_27-.Ltmp9, $1  }
0x79: {  	_ =	sdelay $0x3  }
0x7a: {  	s0 =	ssub.s32 $0x303D1, s21;
	p2 =	sgt.s32 s21, $0x30381;
	s2 =	smov.u32 s21  }
0x7b: {  	s8 =	sshra.s32 s21, $0x1F;
	p3 =	slt.s32 s0, $0x50;
	s9 =	smov.u32 s0  }
0x7c: {  	s2 =	simm.s32 @!p2 $0x30381;
	s8 =	sand.u32 s8, s21;
	s9 =	simm.s32 @!p3 $0x50  }
0x7d: {  	s2 =	ssub.s32 s2, s8;
	s24 =	smul.u32 $0x600, s9  }
0x7e: {  	s2 =	sadd.s32 $0xFFFCFC7F, s2  }
0x7f: {  	s3 =	simm.s32 $0x7;
	s25 =	sshll.u32 s2, $0x2;
	s8 =	sshrl.u32 s24, $0x2  }
0x80: {  	p2 =	sgt.s32 s2, $0x4F;
	s26 =	ssub.s32 $0x140, s25;
	_ =	swait.ge [sflag:s3], s8  }
0x81: {  	s8 =	ssub.s32 $0x0, s8;
	s2 =	sshrl.u32 s26, $0x2;
	[sflag:s3] =	ssyncset.done $0x0  }
0x82: {  	s28 =	simm.s32 $0x9;
	s2 =	simm.s32 @p2 $0x0;
	[sflag:s3] =	ssyncadd.s32 s8  }
0x83: {  	_ =	swait.ge [sflag:s28], s2  }
0x84: {  	s2 =	ssub.s32 $0x0, s2;
	[sflag:s28] =	ssyncset.done $0x0  }
0x85: {  	[sflag:s28] =	ssyncadd.s32 s2  }
0x86: {  	v1 =	vld [tilespmem:$0xCD08];
	_ =	sdelay $0x4  }
0x87: {  	(v2sf) =	vpush v1, $0x0  }
0x88: {  	(v2sf) =	vpush v1, $0x1  }
0x89: {  	(v2sf) =	vpush v1, $0x2;
	_ =	sdelay $0x3  }
0x8a: {  	s2 =	sadd.s32 $0x50, s21  }
0x8b: {  	p2 =	slt.s32 s7, s2  }
0x8c: {  	s2 =	smov.u32 @p2 s7;
	p2 =	sgt.s32 s0, $0x0  }
0x8d: {  	s25 =	ssub.s32 s2, s21;
	s0 =	simm.s32 @!p2 $0x0  }
0x8e: {  	p2 =	slt.s32 s0, s25  }
0x8f: {  	s25 =	smov.u32 @p2 s0  }
0x90: {  	s24 =	simm.s32 $0x1;
	p2 =	slt.s32 s25, $0x1  }
.Ltmp10:
0x91: {  	s24 =	simm.s32 @!p1 $0x0;
	(pc) =	sbr.rel @p2 .LBB2_14-.Ltmp10, $4  }
0x92: {  	s30 =	smul.u32 $0x140, s24  }
0x93: {  	s26 =	spop (v2sf)  }
0x94: {  	s31 =	sshrl.u32 s30, $0x2;
	s29 =	spop (v2sf)  }
0x95: {  	s22 =	sadd.s32 $0xF628, s31;
	s21 =	spop (v2sf)  }
0x96: {  	s0 =	smin.u32 s25, $0x10  }
0x97: {  	v1 =	vmov s0  }
0x98: {  	vm1 =	vgt.u32 v1, v0;
	_ =	sdelay $0x1  }
0x99: {  	p3 =	sgt.s32 s25, $0x10  }
.Ltmp11:
0x9a: {  	_ = 	snop;
	(pc) =	sbr.rel @!p3 .LBB2_13-.Ltmp11, $3  }
0x9b: {  	_ =	sdelay $0x1  }
0x9c: {  	v1 =	vld.msk [tilespmem:s22+$0x0 ss:$0x1], vm1  }
0x9d: {  	s23 =	simm.s32 $0x10;
	s2 =	sadd.s32 $0xFFFFFFF0, s25;
	s0 =	smov.u32 s22;
	vm0 =	vmmov vm1  }
.LBB2_12:
0x9e: {  	s8 =	smin.u32 s2, $0x10;
	s23 =	sadd.s32 $0x10, s23  }
0x9f: {  	v2 =	vmov s8;
	p3 =	slt.s32 s23, s25  }
0xa0: {  	vm1 =	vgt.u32 v2, v0  }
0xa1: {  	v2 =	vshrl.u32 v1, $0x3  }
0xa2: {  	v1 =	vshll.u32 v1, $0x4;
	v2 =	vmul.u32 $0x180, v2  }
0xa3: {  	v1 =	vand.u32 $0x70, v1  }
.Ltmp12:
0xa4: {  	v1 =	vor.u32 v1, v2;
	(pc) =	sbr.rel @p3 .LBB2_12-.Ltmp12, $3  }
0xa5: {  	[tilespmem:s0+$0x0] =	vst.msk vm0, v1;
	s0 =	sadd.s32 $0x10, s0;
	vm0 =	vmmov vm1  }
0xa6: {  	v1 =	vld.msk [tilespmem:s0+$0x0 ss:$0x1], vm1;
	_ =	sdelay $0x1  }
0xa7: {  	s2 =	sadd.s32 $0xFFFFFFF0, s2  }
.LBB2_13:
0xa8: {  	_ =	sdelay $0x2  }
0xa9: {  	v2 =	vshrl.u32 v1, $0x3  }
0xaa: {  	v1 =	vshll.u32 v1, $0x4;
	v2 =	vmul.u32 $0x180, v2  }
0xab: {  	v1 =	vand.u32 $0x70, v1  }
0xac: {  	v1 =	vor.u32 v1, v2  }
0xad: {  	[tilespmem:s0+$0x0] =	vst.msk vm0, v1  }
.LBB2_14:
0xae: {  	s0 =	sand.u32 $0x1, s20  }
0xaf: {  	s0 =	smul.u32 $0x50, s0  }
0xb0: {  	p3 =	sne.s32 s29, $0xFFFFFFFF  }
0xb1: {  	v1 =	vld.msk @!p3 [tilespmem:s0+$0xF628], $0x1;
	_ =	sdelay $0x4  }
0xb2: {  	(v2sf) =	vpush @!p3 v1, $0x0;
	_ =	sdelay $0xc  }
.Ltmp13:
0xb3: {  	_ = 	snop;
	(pc) =	sbr.rel @p2 .LBB2_25-.Ltmp13, $4  }
0xb4: {  	_ = 	snop  }
0xb5: {  	s28 =	spop @!p3 (v2sf)  }
0xb6: {  	s21 =	simm.s32 @!p3 $0x0;
	s23 =	smov.u32 s28  }
0xb7: {  	[sflag:s17] =	ssyncpa.u1 $0x0;
	s28 =	smov.u32 @p3 s26;
	s23 =	smov.u32 @p3 s29  }
0xb8: {  	v1 =	vld.msk [tilespmem:s22+$0x0], $0x1;
	_ =	sdelay $0x4  }
0xb9: {  	(v2sf) =	vpush v1, $0x0;
	_ =	sdelay $0xd  }
0xba: {  	s13 =	smov.u32 s12  }
0xbb: {  	s12 =	smov.u32 s7;
	s7 =	smov.u32 s6;
	s30 =	spop (v2sf)  }
0xbc: {  	s17 =	smov.u32 s10;
	s0 =	smul.u32 $0x1E000, s24;
	p2 =	seq.s32 s28, s30  }
0xbd: {  	s24 =	simm.s32 $0x0;
	s25 =	ssub.s32 $0x0, s25;
	p3 =	sgt.s32 @!p2 s28, $0x0  }
0xbe: {  	s8 =	smov.u32 s28;
	s2 =	smul.u32 @!p2 $0x500, s24;
	p3 =	por !p3, p2  }
0xbf: {  	s29 =	sadd.s32 $0x1, s25;
	s0 =	sshrl.u32 s0, $0x2;
	s8 =	simm.s32 @p3 $0x0  }
0xc0: {  	s26 =	sadd.s32 $0xF768, s0;
	s9 =	sshra.s32 @!p2 s2, $0x2;
	s8 =	smin.u32 @!p2 s8, $0x14E578  }
0xc1: {  	p3 =	seq.s32 s29, $0x0;
	s31 =	sadd.s32 @!p2 $0x67C8, s9;
	s2 =	sand.u32 @!p2 $0x1FFFF8, s8  }
0xc2: {  	s10 =	sadd.s32 @!p2 $0x80, s8;
	s3 =	sadd.s32 @!p2 s1, s2;
	s2 =	sand.u32 @!p2 $0x7, s8  }
0xc3: {  	[tilespmem:s31], [sflag:$0x2] =	stream.linear.gather @!p2 [hbm4b:s3+s2], $0x80, $0x38;
	[tilespmem:$0x1E6C8] =	vst v63  }
.Ltmp14:
0xc4: {  	s0 =	simm.s32 @!p2 $0x1;
	s10 =	sand.u32 @!p2 $0x3FFFF8, s10;
	(pc) =	sbr.rel @p3 .LBB2_17-.Ltmp14, $4  }
0xc5: {  	s8 =	sadd.s32 @!p2 $0x100, s8;
	s3 =	sadd.s32 @!p2 $0x6848, s9;
	s10 =	sadd.s32 @!p2 s1, s10  }
0xc6: {  	[tilespmem:s3], [sflag:$0x2] =	stream.linear.gather @!p2 [hbm4b:s10+s2], $0x80, $0x38;
	[tilespmem:$0x1E6C8] =	vst v63  }
0xc7: {  	s6 =	smov.u32 s5;
	s0 =	smov.u32 @p2 s24;
	s3 =	sand.u32 @!p2 $0x3FFFF8, s8  }
0xc8: {  	s31 =	sadd.s32 $0x1, s22;
	s8 =	sadd.s32 @!p2 $0x68C8, s9;
	s9 =	sadd.s32 @!p2 s1, s3  }
.LBB2_16:
0xc9: {  	s3 =	smov.u32 s0  }
0xca: {  	[tilespmem:s8], [sflag:$0x2] =	stream.linear.gather @!p2 [hbm4b:s9+s2], $0x40, $0x38;
	[tilespmem:$0x1E6C8] =	vst v63  }
0xcb: {  	s29 =	sadd.s32 $0x1, s29;
	s2 =	smov.u32 s30  }
0xcc: {  	p3 =	seq.s32 s29, $0x0;
	v1 =	vld.msk [tilespmem:s31+$0x0], $0x1;
	_ =	sdelay $0x4  }
0xcd: {  	(v2sf) =	vpush v1, $0x0;
	_ =	sdelay $0xe  }
0xce: {  	s30 =	spop (v2sf)  }
0xcf: {  	p2 =	seq.s32 s2, s30  }
0xd0: {  	p4 =	sgt.s32 @!p2 s2, $0x0  }
0xd1: {  	s8 =	smul.u32 @!p2 $0x500, s0;
	s0 =	sadd.s32 @!p2 $0x1, s0;
	p4 =	por !p4, p2  }
0xd2: {  	s0 =	smov.u32 @p2 s3;
	s2 =	simm.s32 @p4 $0x0  }
0xd3: {  	s3 =	sshra.s32 @!p2 s8, $0x2;
	s2 =	smin.u32 @!p2 s2, $0x14E578  }
0xd4: {  	s8 =	sadd.s32 @!p2 $0x67C8, s3;
	s9 =	sadd.s32 @!p2 $0x6848, s3;
	s10 =	sand.u32 @!p2 $0x1FFFF8, s2  }
0xd5: {  	s5 =	sadd.s32 @!p2 $0x80, s2;
	s14 =	sadd.s32 @!p2 $0x100, s2;
	s2 =	sand.u32 @!p2 $0x7, s2  }
.Ltmp15:
0xd6: {  	s10 =	sadd.s32 @!p2 s1, s10;
	s5 =	sand.u32 @!p2 $0x3FFFF8, s5;
	(pc) =	sbr.rel @!p3 .LBB2_16-.Ltmp15, $4  }
0xd7: {  	[tilespmem:s8], [sflag:$0x2] =	stream.linear.gather @!p2 [hbm4b:s10+s2], $0x80, $0x38;
	[tilespmem:$0x1E6C8] =	vst v63  }
0xd8: {  	s5 =	sadd.s32 @!p2 s1, s5;
	s10 =	sand.u32 @!p2 $0x3FFFF8, s14;
	s8 =	sadd.s32 @!p2 $0x68C8, s3  }
0xd9: {  	[tilespmem:s9], [sflag:$0x2] =	stream.linear.gather @!p2 [hbm4b:s5+s2], $0x80, $0x38;
	[tilespmem:$0x1E6C8] =	vst v63  }
0xda: {  	s31 =	sadd.s32 $0x1, s31;
	s9 =	sadd.s32 @!p2 s1, s10  }
.LBB2_17:
0xdb: {  	[tilespmem:s8], [sflag:$0x2] =	stream.linear.gather @!p2 [hbm4b:s9+s2], $0x40, $0x38;
	[tilespmem:$0x1E6C8] =	vst v63  }
0xdc: {  	s0 =	smul.u32 $0x500, s0;
	s31 =	simm.s32 $0x2  }
.Ltmp16:
0xdd: {  	s30 =	simm.s32 $0x0;
	s5 =	smov.u32 s6;
	(pc) =	sbr.rel .LBB2_18-.Ltmp16, $4  }
0xde: {  	s10 =	smov.u32 s17;
	s6 =	smov.u32 s7;
	s0 =	sshrl.u32 s0, $0x2  }
0xdf: {  	s7 =	smov.u32 s12;
	s12 =	smov.u32 s13;
	_ =	swait.ge [sflag:s31], s0  }
0xe0: {  	s0 =	ssub.s32 $0x0, s0;
	[sflag:s31] =	ssyncset.done $0x0;
	s13 =	rddreg [dreg:$0x2]  }
0xe1: {  	s17 =	simm.s32 $0xA;
	s14 =	rddreg [dreg:$0x3];
	[sflag:s31] =	ssyncadd.s32 s0  }
.LBB2_19:
0xe2: {  	v1 =	vld [tilespmem:s26+$0xFFFFFF60];
	_ =	sdelay $0x4  }
0xe3: {  	[tilespmem:s31+$0x288] =	vst.add.f32.msk $0xffff, v1  }
0xe4: {  	v1 =	vld [tilespmem:s26+$0xFFFFFF70];
	_ =	sdelay $0x4  }
0xe5: {  	[tilespmem:s31+$0x298] =	vst.add.f32.msk $0xffff, v1  }
0xe6: {  	v1 =	vld [tilespmem:s26+$0xFFFFFF80];
	_ =	sdelay $0x4  }
0xe7: {  	[tilespmem:s31+$0x2A8] =	vst.add.f32.msk $0xffff, v1  }
0xe8: {  	v1 =	vld [tilespmem:s26+$0xFFFFFF90];
	_ =	sdelay $0x4  }
0xe9: {  	[tilespmem:s31+$0x2B8] =	vst.add.f32.msk $0xffff, v1  }
0xea: {  	v1 =	vld [tilespmem:s26+$0xFFFFFFA0];
	_ =	sdelay $0x4  }
0xeb: {  	[tilespmem:s31+$0x2C8] =	vst.add.f32.msk $0xffff, v1  }
0xec: {  	v1 =	vld [tilespmem:s26+$0xFFFFFFB0];
	_ =	sdelay $0x4  }
0xed: {  	[tilespmem:s31+$0x2D8] =	vst.add.f32.msk $0xffff, v1  }
0xee: {  	v1 =	vld [tilespmem:s26+$0xFFFFFFC0];
	_ =	sdelay $0x4  }
0xef: {  	[tilespmem:s31+$0x2E8] =	vst.add.f32.msk $0xffff, v1  }
0xf0: {  	v1 =	vld [tilespmem:s26+$0xFFFFFFD0];
	_ =	sdelay $0x4  }
0xf1: {  	[tilespmem:s31+$0x2F8] =	vst.add.f32.msk $0xffff, v1  }
0xf2: {  	v1 =	vld [tilespmem:s26+$0xFFFFFFE0];
	_ =	sdelay $0x4  }
0xf3: {  	[tilespmem:s31+$0x308] =	vst.add.f32.msk $0xffff, v1  }
0xf4: {  	v1 =	vld [tilespmem:s26+$0xFFFFFFF0];
	_ =	sdelay $0x4  }
0xf5: {  	[tilespmem:s31+$0x318] =	vst.add.f32.msk $0xffff, v1  }
0xf6: {  	v1 =	vld [tilespmem:s26+$0x0];
	_ =	sdelay $0x4  }
0xf7: {  	[tilespmem:s31+$0x328] =	vst.add.f32.msk $0xffff, v1  }
0xf8: {  	v1 =	vld [tilespmem:s26+$0x10];
	_ =	sdelay $0x4  }
0xf9: {  	[tilespmem:s31+$0x338] =	vst.add.f32.msk $0xffff, v1  }
0xfa: {  	v1 =	vld [tilespmem:s26+$0x20];
	_ =	sdelay $0x4  }
0xfb: {  	[tilespmem:s31+$0x348] =	vst.add.f32.msk $0xffff, v1  }
0xfc: {  	v1 =	vld [tilespmem:s26+$0x30];
	_ =	sdelay $0x4  }
0xfd: {  	[tilespmem:s31+$0x358] =	vst.add.f32.msk $0xffff, v1  }
0xfe: {  	v1 =	vld [tilespmem:s26+$0x40];
	_ =	sdelay $0x4  }
0xff: {  	[tilespmem:s31+$0x368] =	vst.add.f32.msk $0xffff, v1  }
0x100: {  	v1 =	vld [tilespmem:s26+$0x50];
	_ =	sdelay $0x4  }
0x101: {  	[tilespmem:s31+$0x378] =	vst.add.f32.msk $0xffff, v1  }
0x102: {  	v1 =	vld [tilespmem:s26+$0x60];
	_ =	sdelay $0x4  }
0x103: {  	[tilespmem:s31+$0x388] =	vst.add.f32.msk $0xffff, v1  }
0x104: {  	v1 =	vld [tilespmem:s26+$0x70];
	_ =	sdelay $0x4  }
0x105: {  	[tilespmem:s31+$0x398] =	vst.add.f32.msk $0xffff, v1  }
0x106: {  	v1 =	vld [tilespmem:s26+$0x80];
	_ =	sdelay $0x4  }
0x107: {  	[tilespmem:s31+$0x3A8] =	vst.add.f32.msk $0xffff, v1  }
0x108: {  	v1 =	vld [tilespmem:s26+$0x90];
	_ =	sdelay $0x4  }
0x109: {  	[tilespmem:s31+$0x3B8] =	vst.add.f32.msk $0xffff, v1  }
.LBB2_23:
0x10a: {  	s25 =	sadd.s32 $0x1, s25  }
0x10b: {  	p2 =	seq.s32 s25, $0x0  }
.Ltmp17:
0x10c: {  	_ = 	snop;
	(pc) =	sbr.rel @p2 .LBB2_24-.Ltmp17, $2  }
0x10d: {  	_ =	sdelay $0x2  }
0x10e: {  	s22 =	sadd.s32 $0x1, s22;
	s26 =	sadd.s32 $0x180, s26;
	s28 =	smov.u32 s29  }
.LBB2_18:
0x10f: {  	v1 =	vld.msk [tilespmem:s22+$0x0], $0x1;
	_ =	sdelay $0x4  }
0x110: {  	(v2sf) =	vpush v1, $0x0;
	_ =	sdelay $0xe  }
0x111: {  	s29 =	spop (v2sf)  }
0x112: {  	p2 =	sne.s32 s28, s29  }
.Ltmp18:
0x113: {  	_ = 	snop;
	(pc) =	sbr.rel @!p2 .LBB2_19-.Ltmp18, $3  }
0x114: {  	_ = 	snop  }
0x115: {  	s0 =	smul.u32 $0x500, s21;
	_ =	sdelay $0x1  }
0x116: {  	s31 =	sshra.s32 s0, $0x2  }
0x117: {  	p2 =	seq.s32 s28, s23  }
.Ltmp19:
0x118: {  	_ = 	snop;
	(pc) =	sbr.rel @!p2 .LBB2_21-.Ltmp19, $1  }
0x119: {  	_ =	sdelay $0x3  }
.Ltmp20:
0x11a: {  	s0 =	sadd.s32 $0x288, s31;
	(pc) =	sbr.rel .LBB2_22-.Ltmp20, $4  }
0x11b: {  	[spmem:s13] =	stream.linear.scatter [tilespmem:s0], [sflag:$0x1], $0x140, $0x38;
	[tilespmem:$0x1E6C8] =	vst v63  }
0x11c: {  	_ =	swait.ge [sflag:s11], $0x140  }
0x11d: {  	[sflag:s11] =	ssyncset.done $0x0  }
0x11e: {  	[sflag:s11] =	ssyncadd.s32 $0xFFFFFEC0  }
.LBB2_21:
0x11f: {  	s0 =	smul.u32 $0x500, s24;
	_ =	sdelay $0x1  }
0x120: {  	s0 =	sshra.s32 s0, $0x2  }
0x121: {  	v1 =	vld [tilespmem:s0+$0x67C8];
	_ =	sdelay $0x4  }
0x122: {  	[tilespmem:s31+$0x288] =	vst.add.f32.msk $0xffff, v1  }
0x123: {  	v1 =	vld [tilespmem:s0+$0x67D8];
	_ =	sdelay $0x4  }
0x124: {  	[tilespmem:s31+$0x298] =	vst.add.f32.msk $0xffff, v1  }
0x125: {  	v1 =	vld [tilespmem:s0+$0x67E8];
	_ =	sdelay $0x4  }
0x126: {  	[tilespmem:s31+$0x2A8] =	vst.add.f32.msk $0xffff, v1  }
0x127: {  	v1 =	vld [tilespmem:s0+$0x67F8];
	_ =	sdelay $0x4  }
0x128: {  	[tilespmem:s31+$0x2B8] =	vst.add.f32.msk $0xffff, v1  }
0x129: {  	v1 =	vld [tilespmem:s0+$0x6808];
	_ =	sdelay $0x4  }
0x12a: {  	[tilespmem:s31+$0x2C8] =	vst.add.f32.msk $0xffff, v1  }
0x12b: {  	v1 =	vld [tilespmem:s0+$0x6818];
	_ =	sdelay $0x4  }
0x12c: {  	[tilespmem:s31+$0x2D8] =	vst.add.f32.msk $0xffff, v1  }
0x12d: {  	v1 =	vld [tilespmem:s0+$0x6828];
	_ =	sdelay $0x4  }
0x12e: {  	[tilespmem:s31+$0x2E8] =	vst.add.f32.msk $0xffff, v1  }
0x12f: {  	v1 =	vld [tilespmem:s0+$0x6838];
	_ =	sdelay $0x4  }
0x130: {  	[tilespmem:s31+$0x2F8] =	vst.add.f32.msk $0xffff, v1  }
0x131: {  	v1 =	vld [tilespmem:s0+$0x6848];
	_ =	sdelay $0x4  }
0x132: {  	[tilespmem:s31+$0x308] =	vst.add.f32.msk $0xffff, v1  }
0x133: {  	v1 =	vld [tilespmem:s0+$0x6858];
	_ =	sdelay $0x4  }
0x134: {  	[tilespmem:s31+$0x318] =	vst.add.f32.msk $0xffff, v1  }
0x135: {  	v1 =	vld [tilespmem:s0+$0x6868];
	_ =	sdelay $0x4  }
0x136: {  	[tilespmem:s31+$0x328] =	vst.add.f32.msk $0xffff, v1  }
0x137: {  	v1 =	vld [tilespmem:s0+$0x6878];
	_ =	sdelay $0x4  }
0x138: {  	[tilespmem:s31+$0x338] =	vst.add.f32.msk $0xffff, v1  }
0x139: {  	v1 =	vld [tilespmem:s0+$0x6888];
	_ =	sdelay $0x4  }
0x13a: {  	[tilespmem:s31+$0x348] =	vst.add.f32.msk $0xffff, v1  }
0x13b: {  	v1 =	vld [tilespmem:s0+$0x6898];
	_ =	sdelay $0x4  }
0x13c: {  	[tilespmem:s31+$0x358] =	vst.add.f32.msk $0xffff, v1  }
0x13d: {  	v1 =	vld [tilespmem:s0+$0x68A8];
	_ =	sdelay $0x4  }
0x13e: {  	[tilespmem:s31+$0x368] =	vst.add.f32.msk $0xffff, v1  }
0x13f: {  	v1 =	vld [tilespmem:s0+$0x68B8];
	_ =	sdelay $0x4  }
0x140: {  	[tilespmem:s31+$0x378] =	vst.add.f32.msk $0xffff, v1  }
0x141: {  	v1 =	vld [tilespmem:s0+$0x68C8];
	_ =	sdelay $0x4  }
0x142: {  	[tilespmem:s31+$0x388] =	vst.add.f32.msk $0xffff, v1  }
0x143: {  	v1 =	vld [tilespmem:s0+$0x68D8];
	_ =	sdelay $0x4  }
0x144: {  	[tilespmem:s31+$0x398] =	vst.add.f32.msk $0xffff, v1  }
0x145: {  	v1 =	vld [tilespmem:s0+$0x68E8];
	_ =	sdelay $0x4  }
0x146: {  	[tilespmem:s31+$0x3A8] =	vst.add.f32.msk $0xffff, v1  }
0x147: {  	v1 =	vld [tilespmem:s0+$0x68F8];
	_ =	sdelay $0x2  }
0x148: {  	p2 =	sgt.u32 s28, $0x14E578  }
0x149: {  	s0 =	sand.u32 @!p2 $0x1FFFF8, s28  }
0x14a: {  	s2 =	sadd.s32 $0x288, s31;
	s3 =	sand.u32 @!p2 $0x7, s28;
	s0 =	sadd.s32 @!p2 s1, s0;
	[tilespmem:s31+$0x3B8] =	vst.add.f32.msk $0xffff, v1  }
0x14b: {  	[hbm4b:s0+s3] =	stream.linear.scatter @!p2 [tilespmem:s2], [sflag:$0xA], $0x80, $0x38;
	[tilespmem:$0x1E6C8] =	vst v63  }
0x14c: {  	s0 =	sadd.s32 @!p2 $0x80, s28  }
0x14d: {  	s0 =	sand.u32 @!p2 $0x3FFFF8, s0  }
0x14e: {  	s2 =	sadd.s32 $0x308, s31;
	s0 =	sadd.s32 @!p2 s1, s0  }
0x14f: {  	[hbm4b:s0+s3] =	stream.linear.scatter @!p2 [tilespmem:s2], [sflag:$0xA], $0x80, $0x38;
	[tilespmem:$0x1E6C8] =	vst v63  }
0x150: {  	s0 =	sadd.s32 @!p2 $0x100, s28  }
0x151: {  	s0 =	sand.u32 @!p2 $0x3FFFF8, s0  }
0x152: {  	s2 =	sadd.s32 $0x388, s31;
	s0 =	sadd.s32 @!p2 s1, s0  }
0x153: {  	[hbm4b:s0+s3] =	stream.linear.scatter @!p2 [tilespmem:s2], [sflag:$0xA], $0x40, $0x38;
	[tilespmem:$0x1E6C8] =	vst v63  }
0x154: {  	s0 =	simm.s32 $0x0  }
0x155: {  	s0 =	simm.s32 @!p2 $0x500  }
0x156: {  	s30 =	sadd.s32 s0, s30  }
.LBB2_22:
0x157: {  	s0 =	sadd.s32 $0x1, s21  }
0x158: {  	s2 =	smulhi.u32 $0xCCCCCCCD, s0;
	_ =	sdelay $0x1  }
0x159: {  	s2 =	sshrl.u32 s2, $0x6  }
0x15a: {  	s2 =	smul.u32 $0x50, s2  }
0x15b: {  	v1 =	vld [tilespmem:s26+$0xFFFFFF60]  }
0x15c: {  	s21 =	ssub.s32 s0, s2  }
0x15d: {  	s0 =	smul.u32 $0x500, s21;
	_ =	sdelay $0x1  }
0x15e: {  	s0 =	sshrl.u32 s0, $0x2  }
0x15f: {  	[tilespmem:s0+$0x288] =	vst v1  }
0x160: {  	v1 =	vld [tilespmem:s26+$0xFFFFFF70];
	_ =	sdelay $0x4  }
0x161: {  	[tilespmem:s0+$0x298] =	vst v1  }
0x162: {  	v1 =	vld [tilespmem:s26+$0xFFFFFF80];
	_ =	sdelay $0x4  }
0x163: {  	[tilespmem:s0+$0x2A8] =	vst v1  }
0x164: {  	v1 =	vld [tilespmem:s26+$0xFFFFFF90];
	_ =	sdelay $0x4  }
0x165: {  	[tilespmem:s0+$0x2B8] =	vst v1  }
0x166: {  	v1 =	vld [tilespmem:s26+$0xFFFFFFA0];
	_ =	sdelay $0x4  }
0x167: {  	[tilespmem:s0+$0x2C8] =	vst v1  }
0x168: {  	v1 =	vld [tilespmem:s26+$0xFFFFFFB0];
	_ =	sdelay $0x4  }
0x169: {  	[tilespmem:s0+$0x2D8] =	vst v1  }
0x16a: {  	v1 =	vld [tilespmem:s26+$0xFFFFFFC0];
	_ =	sdelay $0x4  }
0x16b: {  	[tilespmem:s0+$0x2E8] =	vst v1  }
0x16c: {  	v1 =	vld [tilespmem:s26+$0xFFFFFFD0];
	_ =	sdelay $0x4  }
0x16d: {  	[tilespmem:s0+$0x2F8] =	vst v1  }
0x16e: {  	v1 =	vld [tilespmem:s26+$0xFFFFFFE0];
	_ =	sdelay $0x4  }
0x16f: {  	[tilespmem:s0+$0x308] =	vst v1  }
0x170: {  	v1 =	vld [tilespmem:s26+$0xFFFFFFF0];
	_ =	sdelay $0x4  }
0x171: {  	[tilespmem:s0+$0x318] =	vst v1  }
0x172: {  	v1 =	vld [tilespmem:s26+$0x0];
	_ =	sdelay $0x4  }
0x173: {  	[tilespmem:s0+$0x328] =	vst v1  }
0x174: {  	v1 =	vld [tilespmem:s26+$0x10];
	_ =	sdelay $0x4  }
0x175: {  	[tilespmem:s0+$0x338] =	vst v1  }
0x176: {  	v1 =	vld [tilespmem:s26+$0x20];
	_ =	sdelay $0x4  }
0x177: {  	[tilespmem:s0+$0x348] =	vst v1  }
0x178: {  	v1 =	vld [tilespmem:s26+$0x30];
	_ =	sdelay $0x4  }
0x179: {  	[tilespmem:s0+$0x358] =	vst v1  }
0x17a: {  	v1 =	vld [tilespmem:s26+$0x40];
	_ =	sdelay $0x4  }
0x17b: {  	[tilespmem:s0+$0x368] =	vst v1  }
0x17c: {  	v1 =	vld [tilespmem:s26+$0x50];
	_ =	sdelay $0x4  }
0x17d: {  	[tilespmem:s0+$0x378] =	vst v1  }
0x17e: {  	v1 =	vld [tilespmem:s26+$0x60];
	_ =	sdelay $0x4  }
0x17f: {  	[tilespmem:s0+$0x388] =	vst v1  }
0x180: {  	v1 =	vld [tilespmem:s26+$0x70];
	_ =	sdelay $0x4  }
0x181: {  	[tilespmem:s0+$0x398] =	vst v1  }
0x182: {  	v1 =	vld [tilespmem:s26+$0x80];
	_ =	sdelay $0x4  }
0x183: {  	[tilespmem:s0+$0x3A8] =	vst v1  }
0x184: {  	v1 =	vld [tilespmem:s26+$0x90]  }
.Ltmp21:
0x185: {  	_ = 	snop;
	(pc) =	sbr.rel .LBB2_23-.Ltmp21, $2  }
0x186: {  	_ =	sdelay $0x2  }
0x187: {  	s24 =	sadd.s32 $0x1, s24;
	[tilespmem:s0+$0x3B8] =	vst v1  }
.LBB2_25:
.Ltmp22:
0x188: {  	(pc) =	sbr.rel .LBB2_26-.Ltmp22, $4  }
0x189: {  	_ = 	snop  }
0x18a: {  	s0 =	simm.s32 $0x2  }
0x18b: {  	_ =	swait.ge [sflag:s0], $0x0  }
0x18c: {  	s29 =	smov.u32 s28;
	[sflag:s0] =	ssyncset.done $0x0;
	s0 =	simm.s32 $0x0  }
.LBB2_28:
0x18d: {  	_ =	sfence.sel $0x180000  }
0x18e: {  	s0 =	simm.s32 $0x7;
	[bflag:$0x0] =	sbarrier.arrive $0xFFFF  }
0x18f: {  	s25 =	simm.s32 $0x8;
	[sflag:s0] =	ssyncpa.u1 $0x1  }
0x190: {  	s26 =	simm.s32 $0x9;
	[sflag:s25] =	ssyncpa.u1 $0x1  }
0x191: {  	s28 =	simm.s32 $0x2;
	[sflag:s26] =	ssyncpa.u1 $0x1  }
0x192: {  	[sflag:s28] =	ssyncpa.u1 $0x1  }
0x193: {  	v0 =	vld [tilespmem:$0xCD08];
	_ =	sdelay $0x4  }
0x194: {  	(v2sf) =	vpush v0, $0x0  }
0x195: {  	(v2sf) =	vpush v0, $0x1  }
0x196: {  	(v2sf) =	vpush v0, $0x2;
	_ =	sdelay $0xc  }
0x197: {  	s0 =	spop (v2sf)  }
0x198: {  	s2 =	spop (v2sf)  }
0x199: {  	s3 =	smov.u32 s0;
	p0 =	sne.s32 s0, s2;
	s4 =	spop (v2sf)  }
0x19a: {  	s3 =	simm.s32 @!p0 $0xFFFFFFFF;
	p0 =	seq.s32 s4, $0xFFFFFFFF  }
0x19b: {  	v2 =	vimm.s32 $0x1;
	v3 =	vlaneseq.u32;
	v1 =	vmov s3;
	p1 =	sne.s32 @!p0 s0, s2  }
0x19c: {  	s7 =	stileid.u32;
	v0 =	vperm.xlane v0, v2;
	s0 =	simm.s32 @!p0 $0x1;
	v1 =	vperm.xlane v1, v3;
	p1 =	por !p1, p0  }
0x19d: {  	vm0 =	vcmask $0x3F04;
	s3 =	sshll.u32 s7, $0x1;
	s2 =	smul.u32 @!p0 $0x500, s4;
	s0 =	simm.s32 @p1 $0x0  }
0x19e: {  	s6 =	simm.s32 $0xCD08;
	v0 =	vsel vm0, v1, v0;
	s0 =	sor.u32 @!p0 s0, s3  }
0x19f: {  	s5 =	sor.u32 $0x2800, s3;
	s2 =	sshra.s32 @!p0 s2, $0x2;
	[tilespmem:$0xCD08] =	vst v0;
	s0 =	smul.u32 @!p0 $0x500, s0  }
0x1a0: {  	[spmem:s5] =	stream.linear.scatter [tilespmem:s6], [sflag:$0x1], $0x2, $0x38;
	[tilespmem:$0x1E6C8] =	vst v63  }
0x1a1: {  	s2 =	sadd.s32 @!p0 $0x288, s2;
	s0 =	sshrl.u32 @!p0 s0, $0x2  }
0x1a2: {  	[spmem:s0] =	stream.linear.scatter @!p0 [tilespmem:s2], [sflag:$0x1], $0x140, $0x38;
	[tilespmem:$0x1E6C8] =	vst v63  }
0x1a3: {  	s2 =	simm.s32 @!p0 $0x142  }
0x1a4: {  	s0 =	simm.s32 $0x1;
	s2 =	simm.s32 @p0 $0x2  }
0x1a5: {  	_ =	swait.ge [sflag:s0], s2  }
0x1a6: {  	s2 =	ssub.s32 $0x0, s2;
	[sflag:s0] =	ssyncset.done $0x0  }
0x1a7: {  	[sflag:s0] =	ssyncadd.s32 s2  }
0x1a8: {  	_ =	sfence.stream.spmem  }
0x1a9: {  	s29 =	simm.s32 $0x3;
	[bflag:$0x0] =	sbarrier.arrive $0xFFFF  }
0x1aa: {  	s30 =	simm.s32 $0x4;
	[sflag:s29] =	ssyncpa.u1 $0x1  }
0x1ab: {  	s31 =	simm.s32 $0x3C;
	[sflag:s30] =	ssyncpa.u1 $0x1  }
0x1ac: {  	p0 =	sne.s32 s7, $0x0;
	[sflag:s31] =	ssyncpa.u1 $0x1  }
0x1ad: {  	_ =	sfence @p0  }
0x1ae: {  	[sflag:s0] =	ssyncpa.u1 @p0 $0x1  }
0x1af: {  	_ =	strace @p0 $0x9000004A  }
0x1b0: {  	[bflag:$0x2] =	sbarrier.arrive @p0 $0xFFFF  }
0x1b1: {  	_ =	shalt @p0  }
.LBB2_29:
0x1b2: {  	_ =	sfence.stream.spmem;
	s0 =	simm.s32 $0x5  }
0x1b3: {  	s2 =	simm.s32 $0x2800;
	s3 =	simm.s32 $0xCD18;
	[sflag:s0] =	ssyncpa.u1 $0x0  }
0x1b4: {  	[tilespmem:s3], [sflag:$0x5] =	stream.linear.gather [spmem:s2], $0x20, $0x38;
	[tilespmem:$0x1E6C8] =	vst v63  }
0x1b5: {  	s30 =	simm.s32 $0xCD38;
	s2 =	simm.s32 $0x0  }
0x1b6: {  	[tilespmem:s30], [sflag:$0x5] =	stream.linear.gather [spmem:s2], $0x2800, $0x38;
	[tilespmem:$0x1E6C8] =	vst v63  }
.Ltmp23:
0x1b7: {  	_ = 	snop;
	(pc) =	sbr.rel .LBB2_30-.Ltmp23, $4  }
0x1b8: {  	_ =	swait.ge [sflag:s0], $0x2820  }
0x1b9: {  	[sflag:s0] =	ssyncset.done $0x0  }
0x1ba: {  	s31 =	simm.s32 $0x6;
	[sflag:s0] =	ssyncadd.s32 $0xFFFFD7E0  }
0x1bb: {  	s3 =	simm.s32 $0x0;
	[sflag:s31] =	ssyncpa.u1 $0x0  }
.LBB2_36:
0x1bc: {  	p0 =	slt.u32 s4, $0x14E579  }
0x1bd: {  	s0 =	sand.u32 @p0 $0x1FFFF8, s4  }
0x1be: {  	s5 =	sand.u32 @p0 $0x7, s4;
	s6 =	simm.s32 @p0 $0xCBC8;
	s0 =	sadd.s32 @p0 s1, s0  }
0x1bf: {  	[tilespmem:s6], [sflag:$0x6] =	stream.linear.gather @p0 [hbm4b:s0+s5], $0x80, $0x38;
	[tilespmem:$0x1E6C8] =	vst v63  }
0x1c0: {  	s0 =	sadd.s32 @p0 $0x80, s4  }
0x1c1: {  	s0 =	sand.u32 @p0 $0x3FFFF8, s0  }
0x1c2: {  	s6 =	simm.s32 @p0 $0xCC48;
	s0 =	sadd.s32 @p0 s1, s0  }
0x1c3: {  	[tilespmem:s6], [sflag:$0x6] =	stream.linear.gather @p0 [hbm4b:s0+s5], $0x80, $0x38;
	[tilespmem:$0x1E6C8] =	vst v63  }
0x1c4: {  	s0 =	sadd.s32 @p0 $0x100, s4  }
0x1c5: {  	s0 =	sand.u32 @p0 $0x3FFFF8, s0  }
0x1c6: {  	s4 =	simm.s32 @p0 $0xCCC8;
	s0 =	sadd.s32 @p0 s1, s0  }
0x1c7: {  	[tilespmem:s4], [sflag:$0x6] =	stream.linear.gather @p0 [hbm4b:s0+s5], $0x40, $0x38;
	[tilespmem:$0x1E6C8] =	vst v63  }
0x1c8: {  	s0 =	simm.s32 @p0 $0x6  }
0x1c9: {  	_ =	swait.ge @p0 [sflag:s0], $0x140  }
0x1ca: {  	[sflag:s0] =	ssyncset.done @p0 $0x0  }
0x1cb: {  	[sflag:s0] =	ssyncadd.s32 @p0 $0xFFFFFEC0  }
0x1cc: {  	v1 =	vld @p0 [tilespmem:$0xCBC8];
	_ =	sdelay $0x1  }
0x1cd: {  	s0 =	smul.u32 @p0 $0x500, s3;
	_ =	sdelay $0x1  }
0x1ce: {  	s4 =	sshra.s32 @p0 s0, $0x2  }
0x1cf: {  	[tilespmem:s4+$0xCD38] =	vst.add.f32.msk @p0 $0xffff, v1  }
0x1d0: {  	v1 =	vld @p0 [tilespmem:$0xCBD8];
	_ =	sdelay $0x4  }
0x1d1: {  	[tilespmem:s4+$0xCD48] =	vst.add.f32.msk @p0 $0xffff, v1  }
0x1d2: {  	v1 =	vld @p0 [tilespmem:$0xCBE8];
	_ =	sdelay $0x4  }
0x1d3: {  	[tilespmem:s4+$0xCD58] =	vst.add.f32.msk @p0 $0xffff, v1  }
0x1d4: {  	v1 =	vld @p0 [tilespmem:$0xCBF8];
	_ =	sdelay $0x4  }
0x1d5: {  	[tilespmem:s4+$0xCD68] =	vst.add.f32.msk @p0 $0xffff, v1  }
0x1d6: {  	v1 =	vld @p0 [tilespmem:$0xCC08];
	_ =	sdelay $0x4  }
0x1d7: {  	[tilespmem:s4+$0xCD78] =	vst.add.f32.msk @p0 $0xffff, v1  }
0x1d8: {  	v1 =	vld @p0 [tilespmem:$0xCC18];
	_ =	sdelay $0x4  }
0x1d9: {  	[tilespmem:s4+$0xCD88] =	vst.add.f32.msk @p0 $0xffff, v1  }
0x1da: {  	v1 =	vld @p0 [tilespmem:$0xCC28];
	_ =	sdelay $0x4  }
0x1db: {  	[tilespmem:s4+$0xCD98] =	vst.add.f32.msk @p0 $0xffff, v1  }
0x1dc: {  	v1 =	vld @p0 [tilespmem:$0xCC38];
	_ =	sdelay $0x4  }
0x1dd: {  	[tilespmem:s4+$0xCDA8] =	vst.add.f32.msk @p0 $0xffff, v1  }
0x1de: {  	v1 =	vld @p0 [tilespmem:$0xCC48];
	_ =	sdelay $0x4  }
0x1df: {  	[tilespmem:s4+$0xCDB8] =	vst.add.f32.msk @p0 $0xffff, v1  }
0x1e0: {  	v1 =	vld @p0 [tilespmem:$0xCC58];
	_ =	sdelay $0x4  }
0x1e1: {  	[tilespmem:s4+$0xCDC8] =	vst.add.f32.msk @p0 $0xffff, v1  }
0x1e2: {  	v1 =	vld @p0 [tilespmem:$0xCC68];
	_ =	sdelay $0x4  }
0x1e3: {  	[tilespmem:s4+$0xCDD8] =	vst.add.f32.msk @p0 $0xffff, v1  }
0x1e4: {  	v1 =	vld @p0 [tilespmem:$0xCC78];
	_ =	sdelay $0x4  }
0x1e5: {  	[tilespmem:s4+$0xCDE8] =	vst.add.f32.msk @p0 $0xffff, v1  }
0x1e6: {  	v1 =	vld @p0 [tilespmem:$0xCC88];
	_ =	sdelay $0x4  }
0x1e7: {  	[tilespmem:s4+$0xCDF8] =	vst.add.f32.msk @p0 $0xffff, v1  }
0x1e8: {  	v1 =	vld @p0 [tilespmem:$0xCC98];
	_ =	sdelay $0x4  }
0x1e9: {  	[tilespmem:s4+$0xCE08] =	vst.add.f32.msk @p0 $0xffff, v1  }
0x1ea: {  	v1 =	vld @p0 [tilespmem:$0xCCA8];
	_ =	sdelay $0x4  }
0x1eb: {  	[tilespmem:s4+$0xCE18] =	vst.add.f32.msk @p0 $0xffff, v1  }
0x1ec: {  	v1 =	vld @p0 [tilespmem:$0xCCB8];
	_ =	sdelay $0x4  }
0x1ed: {  	[tilespmem:s4+$0xCE28] =	vst.add.f32.msk @p0 $0xffff, v1  }
0x1ee: {  	v1 =	vld @p0 [tilespmem:$0xCCC8];
	_ =	sdelay $0x4  }
0x1ef: {  	[tilespmem:s4+$0xCE38] =	vst.add.f32.msk @p0 $0xffff, v1  }
0x1f0: {  	v1 =	vld @p0 [tilespmem:$0xCCD8];
	_ =	sdelay $0x4  }
0x1f1: {  	[tilespmem:s4+$0xCE48] =	vst.add.f32.msk @p0 $0xffff, v1  }
0x1f2: {  	v1 =	vld @p0 [tilespmem:$0xCCE8];
	_ =	sdelay $0x4  }
0x1f3: {  	[tilespmem:s4+$0xCE58] =	vst.add.f32.msk @p0 $0xffff, v1  }
0x1f4: {  	v1 =	vld @p0 [tilespmem:$0xCCF8];
	_ =	sdelay $0x2  }
0x1f5: {  	s5 =	smul.u32 @!p0 $0x500, s3;
	_ =	sdelay $0x1  }
0x1f6: {  	s5 =	smov.u32 @p0 s0;
	[tilespmem:s4+$0xCE68] =	vst.add.f32.msk @p0 $0xffff, v1  }
0x1f7: {  	s0 =	sshra.s32 s5, $0x2;
	[tilespmem:s2+$0xCD18] =	vst.msk $0x1, v0  }
0x1f8: {  	v0 =	vld [tilespmem:s0+$0xCD38];
	_ =	sdelay $0x1  }
0x1f9: {  	s31 =	smul.u32 $0x500, s2;
	_ =	sdelay $0x1  }
0x1fa: {  	s4 =	sshra.s32 s31, $0x2  }
0x1fb: {  	[tilespmem:s4+$0xCD38] =	vst v0  }
0x1fc: {  	v0 =	vld [tilespmem:s0+$0xCD48];
	_ =	sdelay $0x4  }
0x1fd: {  	[tilespmem:s4+$0xCD48] =	vst v0  }
0x1fe: {  	v0 =	vld [tilespmem:s0+$0xCD58];
	_ =	sdelay $0x4  }
0x1ff: {  	[tilespmem:s4+$0xCD58] =	vst v0  }
0x200: {  	v0 =	vld [tilespmem:s0+$0xCD68];
	_ =	sdelay $0x4  }
0x201: {  	[tilespmem:s4+$0xCD68] =	vst v0  }
0x202: {  	v0 =	vld [tilespmem:s0+$0xCD78];
	_ =	sdelay $0x4  }
0x203: {  	[tilespmem:s4+$0xCD78] =	vst v0  }
0x204: {  	v0 =	vld [tilespmem:s0+$0xCD88];
	_ =	sdelay $0x4  }
0x205: {  	[tilespmem:s4+$0xCD88] =	vst v0  }
0x206: {  	v0 =	vld [tilespmem:s0+$0xCD98];
	_ =	sdelay $0x4  }
0x207: {  	[tilespmem:s4+$0xCD98] =	vst v0  }
0x208: {  	v0 =	vld [tilespmem:s0+$0xCDA8];
	_ =	sdelay $0x4  }
0x209: {  	[tilespmem:s4+$0xCDA8] =	vst v0  }
0x20a: {  	v0 =	vld [tilespmem:s0+$0xCDB8];
	_ =	sdelay $0x4  }
0x20b: {  	[tilespmem:s4+$0xCDB8] =	vst v0  }
0x20c: {  	v0 =	vld [tilespmem:s0+$0xCDC8];
	_ =	sdelay $0x4  }
0x20d: {  	[tilespmem:s4+$0xCDC8] =	vst v0  }
0x20e: {  	v0 =	vld [tilespmem:s0+$0xCDD8];
	_ =	sdelay $0x4  }
0x20f: {  	[tilespmem:s4+$0xCDD8] =	vst v0  }
0x210: {  	v0 =	vld [tilespmem:s0+$0xCDE8];
	_ =	sdelay $0x4  }
0x211: {  	[tilespmem:s4+$0xCDE8] =	vst v0  }
0x212: {  	v0 =	vld [tilespmem:s0+$0xCDF8];
	_ =	sdelay $0x4  }
0x213: {  	[tilespmem:s4+$0xCDF8] =	vst v0  }
0x214: {  	v0 =	vld [tilespmem:s0+$0xCE08];
	_ =	sdelay $0x4  }
0x215: {  	[tilespmem:s4+$0xCE08] =	vst v0  }
0x216: {  	v0 =	vld [tilespmem:s0+$0xCE18];
	_ =	sdelay $0x4  }
0x217: {  	[tilespmem:s4+$0xCE18] =	vst v0  }
0x218: {  	v0 =	vld [tilespmem:s0+$0xCE28];
	_ =	sdelay $0x4  }
0x219: {  	[tilespmem:s4+$0xCE28] =	vst v0  }
0x21a: {  	v0 =	vld [tilespmem:s0+$0xCE38];
	_ =	sdelay $0x4  }
0x21b: {  	[tilespmem:s4+$0xCE38] =	vst v0  }
0x21c: {  	v0 =	vld [tilespmem:s0+$0xCE48];
	_ =	sdelay $0x4  }
0x21d: {  	[tilespmem:s4+$0xCE48] =	vst v0  }
0x21e: {  	v0 =	vld [tilespmem:s0+$0xCE58];
	_ =	sdelay $0x4  }
0x21f: {  	[tilespmem:s4+$0xCE58] =	vst v0  }
0x220: {  	v0 =	vld [tilespmem:s0+$0xCE68];
	_ =	sdelay $0x4  }
0x221: {  	s2 =	sadd.s32 $0x1, s2;
	[tilespmem:s4+$0xCE68] =	vst v0  }
.LBB2_37:
0x222: {  	s3 =	sadd.s32 $0x1, s3  }
0x223: {  	p0 =	sne.s32 s3, $0x20  }
.Ltmp24:
0x224: {  	_ = 	snop;
	(pc) =	sbr.rel @!p0 .LBB2_38-.Ltmp24, $1  }
0x225: {  	_ =	sdelay $0x3  }
.LBB2_30:
0x226: {  	v0 =	vld.msk [tilespmem:s3+$0xCD18], $0x1;
	_ =	sdelay $0x4  }
0x227: {  	(v2sf) =	vpush v0, $0x0;
	_ =	sdelay $0xe  }
0x228: {  	s4 =	spop (v2sf)  }
0x229: {  	p0 =	seq.s32 s4, $0xFFFFFFFF  }
.Ltmp25:
0x22a: {  	_ = 	snop;
	(pc) =	sbr.rel @p0 .LBB2_37-.Ltmp25, $1  }
0x22b: {  	_ =	sdelay $0x3  }
0x22c: {  	p0 =	slt.s32 s2, $0x1  }
.Ltmp26:
0x22d: {  	_ = 	snop;
	(pc) =	sbr.rel @p0 .LBB2_36-.Ltmp26, $1  }
0x22e: {  	_ =	sdelay $0x3  }
0x22f: {  	s5 =	simm.s32 $0xCD18;
	p0 =	por $0x0, $0x0  }
0x230: {  	v1 =	vld.msk @!p0 [tilespmem:s5+$0x0], $0x1;
	_ =	sdelay $0x4  }
0x231: {  	(v2sf) =	vpush @!p0 v1, $0x0;
	_ =	sdelay $0xd  }
0x232: {  	p2 =	sne.s32 s2, $0x1  }
.Ltmp27:
0x233: {  	s0 =	spop @!p0 (v2sf);
	(pc) =	sbr.rel @!p2 .LBB2_34-.Ltmp27, $4  }
0x234: {  	p1 =	seq.s32 @!p0 s4, s0  }
0x235: {  	s0 =	simm.s32 $0x0;
	p1 =	por !p1, p0  }
0x236: {  	s7 =	simm.s32 $0xFFFFFFFF;
	s0 =	simm.s32 @p1 $0xFFFFFFFF  }
0x237: {  	s6 =	simm.s32 $0x1;
	s0 =	smov.u32 @p0 s7  }
.LBB2_33:
0x238: {  	s7 =	smov.u32 s0;
	p0 =	sne.s32 s0, $0xFFFFFFFF  }
0x239: {  	s5 =	sadd.s32 $0x1, s5;
	s0 =	smov.u32 s6;
	s6 =	sadd.s32 $0x1, s6  }
0x23a: {  	p1 =	sne.s32 s2, s6;
	v1 =	vld.msk @!p0 [tilespmem:s5+$0x0], $0x1;
	_ =	sdelay $0x4  }
0x23b: {  	(v2sf) =	vpush @!p0 v1, $0x0;
	_ =	sdelay $0xe  }
.Ltmp28:
0x23c: {  	s8 =	spop @!p0 (v2sf);
	(pc) =	sbr.rel @p1 .LBB2_33-.Ltmp28, $4  }
0x23d: {  	p2 =	seq.s32 @!p0 s4, s8  }
0x23e: {  	p2 =	por !p2, p0  }
0x23f: {  	s0 =	simm.s32 @p2 $0xFFFFFFFF  }
0x240: {  	s0 =	smov.u32 @p0 s7  }
.LBB2_34:
0x241: {  	p0 =	seq.s32 s0, $0xFFFFFFFF  }
.Ltmp29:
0x242: {  	_ = 	snop;
	(pc) =	sbr.rel @p0 .LBB2_36-.Ltmp29, $1  }
0x243: {  	_ =	sdelay $0x3  }
0x244: {  	s4 =	smul.u32 $0x500, s3;
	_ =	sdelay $0x1  }
0x245: {  	s4 =	sshra.s32 s4, $0x2  }
0x246: {  	v0 =	vld [tilespmem:s4+$0xCD38];
	_ =	sdelay $0x1  }
0x247: {  	s0 =	smul.u32 $0x500, s0;
	_ =	sdelay $0x1  }
0x248: {  	s0 =	sshra.s32 s0, $0x2  }
0x249: {  	[tilespmem:s0+$0xCD38] =	vst.add.f32.msk $0xffff, v0  }
0x24a: {  	v0 =	vld [tilespmem:s4+$0xCD48];
	_ =	sdelay $0x4  }
0x24b: {  	[tilespmem:s0+$0xCD48] =	vst.add.f32.msk $0xffff, v0  }
0x24c: {  	v0 =	vld [tilespmem:s4+$0xCD58];
	_ =	sdelay $0x4  }
0x24d: {  	[tilespmem:s0+$0xCD58] =	vst.add.f32.msk $0xffff, v0  }
0x24e: {  	v0 =	vld [tilespmem:s4+$0xCD68];
	_ =	sdelay $0x4  }
0x24f: {  	[tilespmem:s0+$0xCD68] =	vst.add.f32.msk $0xffff, v0  }
0x250: {  	v0 =	vld [tilespmem:s4+$0xCD78];
	_ =	sdelay $0x4  }
0x251: {  	[tilespmem:s0+$0xCD78] =	vst.add.f32.msk $0xffff, v0  }
0x252: {  	v0 =	vld [tilespmem:s4+$0xCD88];
	_ =	sdelay $0x4  }
0x253: {  	[tilespmem:s0+$0xCD88] =	vst.add.f32.msk $0xffff, v0  }
0x254: {  	v0 =	vld [tilespmem:s4+$0xCD98];
	_ =	sdelay $0x4  }
0x255: {  	[tilespmem:s0+$0xCD98] =	vst.add.f32.msk $0xffff, v0  }
0x256: {  	v0 =	vld [tilespmem:s4+$0xCDA8];
	_ =	sdelay $0x4  }
0x257: {  	[tilespmem:s0+$0xCDA8] =	vst.add.f32.msk $0xffff, v0  }
0x258: {  	v0 =	vld [tilespmem:s4+$0xCDB8];
	_ =	sdelay $0x4  }
0x259: {  	[tilespmem:s0+$0xCDB8] =	vst.add.f32.msk $0xffff, v0  }
0x25a: {  	v0 =	vld [tilespmem:s4+$0xCDC8];
	_ =	sdelay $0x4  }
0x25b: {  	[tilespmem:s0+$0xCDC8] =	vst.add.f32.msk $0xffff, v0  }
0x25c: {  	v0 =	vld [tilespmem:s4+$0xCDD8];
	_ =	sdelay $0x4  }
0x25d: {  	[tilespmem:s0+$0xCDD8] =	vst.add.f32.msk $0xffff, v0  }
0x25e: {  	v0 =	vld [tilespmem:s4+$0xCDE8];
	_ =	sdelay $0x4  }
0x25f: {  	[tilespmem:s0+$0xCDE8] =	vst.add.f32.msk $0xffff, v0  }
0x260: {  	v0 =	vld [tilespmem:s4+$0xCDF8];
	_ =	sdelay $0x4  }
0x261: {  	[tilespmem:s0+$0xCDF8] =	vst.add.f32.msk $0xffff, v0  }
0x262: {  	v0 =	vld [tilespmem:s4+$0xCE08];
	_ =	sdelay $0x4  }
0x263: {  	[tilespmem:s0+$0xCE08] =	vst.add.f32.msk $0xffff, v0  }
0x264: {  	v0 =	vld [tilespmem:s4+$0xCE18];
	_ =	sdelay $0x4  }
0x265: {  	[tilespmem:s0+$0xCE18] =	vst.add.f32.msk $0xffff, v0  }
0x266: {  	v0 =	vld [tilespmem:s4+$0xCE28];
	_ =	sdelay $0x4  }
0x267: {  	[tilespmem:s0+$0xCE28] =	vst.add.f32.msk $0xffff, v0  }
0x268: {  	v0 =	vld [tilespmem:s4+$0xCE38];
	_ =	sdelay $0x4  }
0x269: {  	[tilespmem:s0+$0xCE38] =	vst.add.f32.msk $0xffff, v0  }
0x26a: {  	v0 =	vld [tilespmem:s4+$0xCE48];
	_ =	sdelay $0x4  }
0x26b: {  	[tilespmem:s0+$0xCE48] =	vst.add.f32.msk $0xffff, v0  }
0x26c: {  	v0 =	vld [tilespmem:s4+$0xCE58];
	_ =	sdelay $0x4  }
0x26d: {  	[tilespmem:s0+$0xCE58] =	vst.add.f32.msk $0xffff, v0  }
0x26e: {  	v0 =	vld [tilespmem:s4+$0xCE68]  }
.Ltmp30:
0x26f: {  	_ = 	snop;
	(pc) =	sbr.rel .LBB2_37-.Ltmp30, $2  }
0x270: {  	_ =	sdelay $0x2  }
0x271: {  	[tilespmem:s0+$0xCE68] =	vst.add.f32.msk $0xffff, v0  }
.LBB2_38:
0x272: {  	p0 =	slt.s32 s2, $0x1  }
.Ltmp31:
0x273: {  	_ = 	snop;
	(pc) =	sbr.rel @p0 .LBB2_42-.Ltmp31, $3  }
0x274: {  	_ =	sdelay $0x1  }
0x275: {  	s0 =	simm.s32 $0x6  }
0x276: {  	s3 =	simm.s32 $0x0;
	[sflag:s0] =	ssyncpa.u1 $0x1  }
0x277: {  	s0 =	simm.s32 $0xCD18  }
0x278: {  	v0 =	vld.msk [tilespmem:s0+$0x0], $0x1;
	_ =	sdelay $0x4  }
0x279: {  	(v2sf) =	vpush v0, $0x0;
	_ =	sdelay $0xe  }
0x27a: {  	s0 =	spop (v2sf)  }
0x27b: {  	s2 =	sadd.s32 $0xFFFFFFFF, s2;
	p0 =	sgt.u32 s0, $0x14E578  }
0x27c: {  	s4 =	simm.s32 $0xCD38;
	p1 =	sne.s32 s2, $0x0;
	s5 =	sand.u32 @!p0 $0x1FFFF8, s0  }
0x27d: {  	s6 =	sadd.s32 @!p0 $0x80, s0;
	s7 =	sadd.s32 @!p0 $0x100, s0;
	s0 =	sand.u32 @!p0 $0x7, s0  }
0x27e: {  	s5 =	sadd.s32 @!p0 s1, s5;
	s6 =	sand.u32 @!p0 $0x3FFFF8, s6;
	s7 =	sand.u32 @!p0 $0x3FFFF8, s7  }
0x27f: {  	[hbm4b:s5+s0] =	stream.linear.scatter @!p0 [tilespmem:s4], [sflag:$0x5], $0x80, $0x38;
	[tilespmem:$0x1E6C8] =	vst v63  }
.Ltmp32:
0x280: {  	s5 =	simm.s32 @!p0 $0xCDB8;
	s6 =	sadd.s32 @!p0 s1, s6;
	(pc) =	sbr.rel @!p1 .LBB2_41-.Ltmp32, $4  }
0x281: {  	[hbm4b:s6+s0] =	stream.linear.scatter @!p0 [tilespmem:s5], [sflag:$0x5], $0x80, $0x38;
	[tilespmem:$0x1E6C8] =	vst v63  }
0x282: {  	s5 =	simm.s32 @!p0 $0xCE38;
	s6 =	sadd.s32 @!p0 s1, s7  }
0x283: {  	[hbm4b:s6+s0] =	stream.linear.scatter @!p0 [tilespmem:s5], [sflag:$0x5], $0x40, $0x38;
	[tilespmem:$0x1E6C8] =	vst v63  }
0x284: {  	s5 =	simm.s32 $0x0;
	s6 =	simm.s32 $0xCD19  }
.LBB2_40:
0x285: {  	s0 =	simm.s32 $0x0  }
0x286: {  	v0 =	vld.msk [tilespmem:s6+$0x0], $0x1;
	s2 =	sadd.s32 $0xFFFFFFFF, s2;
	s0 =	simm.s32 @!p0 $0x500  }
0x287: {  	p1 =	sne.s32 s2, $0x0;
	s3 =	sadd.s32 s3, s0;
	_ =	sdelay $0x3  }
0x288: {  	(v2sf) =	vpush v0, $0x0;
	_ =	sdelay $0xe  }
0x289: {  	s0 =	spop (v2sf)  }
0x28a: {  	s4 =	sadd.s32 $0x140, s4;
	p0 =	sgt.u32 s0, $0x14E578  }
0x28b: {  	s7 =	sand.u32 @!p0 $0x1FFFF8, s0;
	s8 =	sadd.s32 @!p0 $0x80, s0;
	s9 =	sadd.s32 @!p0 $0x100, s0  }
0x28c: {  	s0 =	sand.u32 @!p0 $0x7, s0;
	s7 =	sadd.s32 @!p0 s1, s7;
	s8 =	sand.u32 @!p0 $0x3FFFF8, s8  }
0x28d: {  	[hbm4b:s7+s0] =	stream.linear.scatter @!p0 [tilespmem:s4], [sflag:$0x5], $0x80, $0x38;
	[tilespmem:$0x1E6C8] =	vst v63  }
.Ltmp33:
0x28e: {  	_ = 	snop;
	(pc) =	sbr.rel @p1 .LBB2_40-.Ltmp33, $4  }
0x28f: {  	s9 =	sand.u32 @!p0 $0x3FFFF8, s9;
	s7 =	sadd.s32 @!p0 $0x80, s4;
	s8 =	sadd.s32 @!p0 s1, s8  }
0x290: {  	[hbm4b:s8+s0] =	stream.linear.scatter @!p0 [tilespmem:s7], [sflag:$0x5], $0x80, $0x38;
	[tilespmem:$0x1E6C8] =	vst v63  }
0x291: {  	s6 =	sadd.s32 $0x1, s6;
	s7 =	sadd.s32 @!p0 $0x100, s4;
	s8 =	sadd.s32 @!p0 s1, s9  }
0x292: {  	[hbm4b:s8+s0] =	stream.linear.scatter @!p0 [tilespmem:s7], [sflag:$0x5], $0x40, $0x38;
	[tilespmem:$0x1E6C8] =	vst v63  }
.LBB2_41:
0x293: {  	s5 =	simm.s32 @!p0 $0x500  }
0x294: {  	s0 =	sadd.s32 s3, s5  }
0x295: {  	s3 =	sshrl.u32 s0, $0x2  }
.LBB2_42:
0x296: {  	s0 =	simm.s32 $0x5  }
0x297: {  	_ =	swait.ge [sflag:s0], s3  }
0x298: {  	s1 =	ssub.s32 $0x0, s3;
	[sflag:s0] =	ssyncset.done $0x0  }
0x299: {  	[sflag:s0] =	ssyncadd.s32 s1  }
0x29a: {  	[sflag:s0] =	ssyncpa.u1 $0x1  }
0x29b: {  	s30 =	simm.s32 $0x1;
	_ =	sfence  }
0x29c: {  	[sflag:s30] =	ssyncpa.u1 $0x1  }
0x29d: {  	_ =	strace $0x9000004A  }
0x29e: {  	[bflag:$0x2] =	sbarrier.arrive $0xFFFF  }
0x29f: {  	s31 =	rddreg [dreg:$0x1]  }
0x2a0: {  	s0 =	sadd.s32 $0x100000, s31  }
0x2a1: {  	[sflag:s0] =	ssyncadd.tile.s32 $0x1;
	_ =	shalt  }
.Lfunc_end2:
_tile_overlayer_lowered:
.L_overlay_start_2:
0x2a2: {  	(tag) =	ssettag $0x2  }
0x2a3: {  	s0 =	rddreg [dreg:$0x0];
	s2 =	stileid.u32  }
0x2a4: {  	s1 =	rddreg [dreg:$0x1];
	p0 =	sne.s32 s2, $0x0  }
0x2a5: {  	s3 =	rddreg [dreg:$0x2];
	[bflag:$0x3] =	sbarrier.arrive $0xFFFF;
	s2 =	simm.s32 @!p0 $0x1C01  }
0x2a6: {  	[timem:s3], [sflag:s2] =	dma.local @!p0 [hbm:s0], s1  }
0x2a7: {  	s0 =	simm.s32 @!p0 $0x1  }
0x2a8: {  	_ =	swait.ge @!p0 [sflag:s0], s1  }
0x2a9: {  	s1 =	ssub.s32 @!p0 $0x0, s1;
	[sflag:s0] =	ssyncset.done @!p0 $0x0  }
0x2aa: {  	[sflag:s0] =	ssyncadd.s32 @!p0 s1  }
0x2ab: {  	[bflag:$0x3] =	sbarrier.arrive $0xFFFF  }
0x2ac: {  	_ =	shalt  }

</sc_bundles>
